<compile_context>
chip_gen: v7x
topology: tpu7x:2x2x1
jax: 0.10.2.dev20260603
libtpu: 0.0.44.dev20260713+nightly
codegen_flags: <defaults>
</compile_context>

<pallas_src>
import functools

import jax
import jax.numpy as jnp
from jax import lax
from jax.experimental import pallas as pl
from jax.experimental.pallas import tpu as pltpu
from jax.experimental.pallas import tpu_sc as plsc

NC = 2
NS = 16
NW = NC * NS
B = 80


def _mesh():
    return plsc.VectorSubcoreMesh(
        core_axis_name="c", subcore_axis_name="s", num_cores=NC, num_subcores=NS
    )


def _make_deg(N, EPW):
    NB = EPW // B
    rpt = N // NS

    @functools.partial(
        pl.kernel,
        out_type=jax.ShapeDtypeStruct((NC, N, 128), jnp.float32),
        mesh=_mesh(),
        scratch_types=[
            pltpu.VMEM((NB, B), jnp.int32),
            pltpu.VMEM((B, 128), jnp.float32),
            pltpu.VMEM_SHARED((N, 128), jnp.float32),
        ],
    )
    def deg_kernel(dst_hbm, zeros_hbm, ones_hbm, out_hbm, dst_v, ones_v, acc):
        c = lax.axis_index("c")
        s = lax.axis_index("s")
        wid = s * NC + c
        pltpu.sync_copy(zeros_hbm.at[pl.ds(s * rpt, rpt)], acc.at[pl.ds(s * rpt, rpt)])
        pltpu.sync_copy(dst_hbm.at[wid], dst_v)
        pltpu.sync_copy(ones_hbm, ones_v)
        plsc.subcore_barrier()

        @pl.loop(0, NB)
        def _(j):
            pltpu.sync_copy(ones_v, acc.at[dst_v.at[j]], add=True)

        plsc.subcore_barrier()
        pltpu.sync_copy(
            acc.at[pl.ds(s * rpt, rpt)], out_hbm.at[c, pl.ds(s * rpt, rpt)]
        )

    return deg_kernel


def _make_agg(N, D, EPW):
    NB = EPW // B
    rpt = N // NS

    @functools.partial(
        pl.kernel,
        out_type=jax.ShapeDtypeStruct((NC, N, D), jnp.float32),
        mesh=_mesh(),
        scratch_types=[
            pltpu.VMEM((EPW,), jnp.int32),
            pltpu.VMEM((NB, B), jnp.int32),
            pltpu.VMEM((B, D), jnp.float32),
            pltpu.VMEM((B, D), jnp.float32),
            pltpu.VMEM_SHARED((N, D), jnp.float32),
            pltpu.SemaphoreType.DMA,
            pltpu.SemaphoreType.DMA,
        ],
    )
    def agg_kernel(
        g_hbm, src_hbm, dst_hbm, zeros_hbm, out_hbm,
        src_v, dst_v, buf0, buf1, acc, semg0, semg1,
    ):
        c = lax.axis_index("c")
        s = lax.axis_index("s")
        wid = s * NC + c
        pltpu.sync_copy(zeros_hbm.at[pl.ds(s * rpt, rpt)], acc.at[pl.ds(s * rpt, rpt)])
        pltpu.sync_copy(src_hbm.at[pl.ds(wid * EPW, EPW)], src_v)
        pltpu.sync_copy(dst_hbm.at[wid], dst_v)
        plsc.subcore_barrier()

        def gather(j, buf, sem):
            pltpu.async_copy(g_hbm.at[src_v.at[pl.ds(j * B, B)]], buf, sem)

        def wait_gather(buf, sem):
            pltpu.make_async_copy(g_hbm.at[src_v.at[pl.ds(0, B)]], buf, sem).wait()

        gather(0, buf0, semg0)

        @pl.loop(0, (NB - 1) // 2)
        def _(i):
            j0 = 2 * i
            j1 = 2 * i + 1
            gather(j1, buf1, semg1)
            wait_gather(buf0, semg0)
            pltpu.sync_copy(buf0, acc.at[dst_v.at[j0]], add=True)
            gather(j0 + 2, buf0, semg0)
            wait_gather(buf1, semg1)
            pltpu.sync_copy(buf1, acc.at[dst_v.at[j1]], add=True)

        wait_gather(buf0, semg0)
        pltpu.sync_copy(buf0, acc.at[dst_v.at[NB - 1]], add=True)

        plsc.subcore_barrier()
        pltpu.sync_copy(
            acc.at[pl.ds(s * rpt, rpt)], out_hbm.at[c, pl.ds(s * rpt, rpt)]
        )

    return agg_kernel


_R = 1000


def _tc_matmul(x, W):
    N, K = x.shape
    M = W.shape[1]

    def body(x_ref, w_ref, h_ref):
        h_ref[...] = jnp.dot(x_ref[...], w_ref[...],
                             preferred_element_type=jnp.float32,
                             precision=lax.Precision.HIGHEST)

    return pl.pallas_call(
        body,
        grid=(N // _R,),
        in_specs=[
            pl.BlockSpec((_R, K), lambda i: (i, 0)),
            pl.BlockSpec((K, M), lambda i: (0, 0)),
        ],
        out_specs=pl.BlockSpec((_R, M), lambda i: (i, 0)),
        out_shape=jax.ShapeDtypeStruct((N, M), jnp.float32),
    )(x, W)


def _tc_scale(h, degp):
    N, M = h.shape

    def body(h_ref, d_ref, g_ref, dinv_ref):
        deg = d_ref[0, :, 0:1] + d_ref[1, :, 0:1] + 1.0
        dinv = lax.rsqrt(deg)
        dinv_ref[...] = dinv
        g_ref[...] = dinv * h_ref[...]

    return pl.pallas_call(
        body,
        grid=(N // _R,),
        in_specs=[
            pl.BlockSpec((_R, M), lambda i: (i, 0)),
            pl.BlockSpec((NC, _R, 128), lambda i: (0, i, 0)),
        ],
        out_specs=[
            pl.BlockSpec((_R, M), lambda i: (i, 0)),
            pl.BlockSpec((_R, 1), lambda i: (i, 0)),
        ],
        out_shape=[
            jax.ShapeDtypeStruct((N, M), jnp.float32),
            jax.ShapeDtypeStruct((N, 1), jnp.float32),
        ],
    )(h, degp)


def _tc_mid(agg, g, dinv, b, W):
    N, D = g.shape
    M = W.shape[1]

    def body(a_ref, g_ref, dinv_ref, b_ref, w_ref, o_ref):
        dinv = dinv_ref[...]
        h = dinv * (a_ref[0] + a_ref[1] + g_ref[...]) + b_ref[...]
        h = jnp.maximum(h, 0.0)
        o_ref[...] = dinv * jnp.dot(h, w_ref[...], preferred_element_type=jnp.float32,
                                    precision=lax.Precision.HIGHEST)

    return pl.pallas_call(
        body,
        grid=(N // _R,),
        in_specs=[
            pl.BlockSpec((NC, _R, D), lambda i: (0, i, 0)),
            pl.BlockSpec((_R, D), lambda i: (i, 0)),
            pl.BlockSpec((_R, 1), lambda i: (i, 0)),
            pl.BlockSpec((1, D), lambda i: (0, 0)),
            pl.BlockSpec((D, M), lambda i: (0, 0)),
        ],
        out_specs=pl.BlockSpec((_R, M), lambda i: (i, 0)),
        out_shape=jax.ShapeDtypeStruct((N, M), jnp.float32),
    )(agg, g, dinv, b.reshape(1, D), W)


def _tc_final(agg, g, dinv, b):
    N, D = g.shape
    H = D // 2

    def body(a_ref, g_ref, dinv_ref, b_ref, mu_ref, ls_ref):
        o = dinv_ref[...] * (a_ref[0] + a_ref[1] + g_ref[...]) + b_ref[...]
        mu_ref[...] = o[:, :H]
        ls_ref[...] = o[:, H:]

    return pl.pallas_call(
        body,
        grid=(N // _R,),
        in_specs=[
            pl.BlockSpec((NC, _R, D), lambda i: (0, i, 0)),
            pl.BlockSpec((_R, D), lambda i: (i, 0)),
            pl.BlockSpec((_R, 1), lambda i: (i, 0)),
            pl.BlockSpec((1, D), lambda i: (0, 0)),
        ],
        out_specs=[
            pl.BlockSpec((_R, H), lambda i: (i, 0)),
            pl.BlockSpec((_R, H), lambda i: (i, 0)),
        ],
        out_shape=[
            jax.ShapeDtypeStruct((N, H), jnp.float32),
            jax.ShapeDtypeStruct((N, H), jnp.float32),
        ],
    )(agg, g, dinv, b.reshape(1, D))


def kernel(x, edge_index, W1, b1, W2, b2, W_mu, b_mu, W_ls, b_ls):
    N, _ = x.shape
    E = edge_index.shape[1]
    NP = -(-N // (8 * NS)) * (8 * NS)
    EPW0 = E // NW
    EPW = -(-EPW0 // B) * B
    if (EPW // B) % 2 == 0:
        EPW += B

    src = jnp.pad(edge_index[0].reshape(NW, EPW0),
                  ((0, 0), (0, EPW - EPW0))).reshape(-1)
    npad = EPW - EPW0
    if npad:
        w = jnp.arange(NW)[:, None]
        i = jnp.arange(npad)[None, :]
        trash = N + (w * 37 + i) % (NP - N)
        dst = jnp.concatenate(
            [edge_index[1].reshape(NW, EPW0), trash.astype(jnp.int32)], axis=1
        ).reshape(NW, EPW // B, B)
    else:
        dst = edge_index[1].reshape(NW, EPW // B, B)
    zeros128 = jnp.zeros((NP, 128), jnp.float32)
    ones128 = jnp.ones((B, 128), jnp.float32)

    h1 = _tc_matmul(x, W1)
    degp = _make_deg(NP, EPW)(dst, zeros128, ones128)
    g1, dinv = _tc_scale(h1, degp)

    agg = _make_agg(NP, 128, EPW)
    a1 = agg(g1, src, dst, zeros128)
    g2 = _tc_mid(a1, g1, dinv, b1, W2)
    a2 = agg(g2, src, dst, zeros128)
    W3 = jnp.concatenate([W_mu, W_ls], axis=1)
    b3 = jnp.concatenate([b_mu, b_ls])
    g3 = _tc_mid(a2, g2, dinv, b2, W3)
    a3 = agg(g3, src, dst, zeros128)
    return _tc_final(a3, g3, dinv, b3)

# --- scband reference (transcript-rebuilt; emitter-appended) ---
"""Pipeline reference for scband-variational-gcnencoder-2473901162944 (READ-ONLY COPY).

The authoritative reference and input builder live on the scoring server;
editing this copy changes nothing except your own understanding.
"""

import jax, jax.numpy as jnp
import numpy as np

N_NODES = 10000
N_EDGES = 320000
IN_CH = 128
HID_CH = 128
OUT_CH = 64


def gcn_conv(x, edge_index, W, b):
    # PyG GCNConv: add self-loops, symmetric normalization, linear transform, scatter-add
    num_nodes = x.shape[0]
    loop = jnp.arange(num_nodes, dtype=edge_index.dtype)
    src = jnp.concatenate([edge_index[0], loop])
    dst = jnp.concatenate([edge_index[1], loop])
    deg = jnp.zeros((num_nodes,), dtype=x.dtype).at[dst].add(1.0)
    deg_inv_sqrt = jnp.where(deg > 0, jax.lax.rsqrt(deg), 0.0)
    norm = deg_inv_sqrt[src] * deg_inv_sqrt[dst]
    h = x @ W
    msg = h[src] * norm[:, None]
    out = jnp.zeros((num_nodes, W.shape[1]), dtype=x.dtype).at[dst].add(msg)
    return out + b


def setup_inputs(seed: int = 0) -> dict:
    key = jax.random.key(seed)
    ks = jax.random.split(key, 12)
    x = jax.random.normal(ks[0], (N_NODES, IN_CH), dtype=jnp.float32)
    edge_index = jax.random.randint(ks[1], (2, N_EDGES), 0, N_NODES, dtype=jnp.int64 if jax.config.jax_enable_x64 else jnp.int32).astype(jnp.int32)
    s1 = 1.0 / np.sqrt(IN_CH)
    s2 = 1.0 / np.sqrt(HID_CH)
    W1 = jax.random.uniform(ks[2], (IN_CH, HID_CH), jnp.float32, -s1, s1)
    b1 = jnp.zeros((HID_CH,), jnp.float32)
    W2 = jax.random.uniform(ks[3], (HID_CH, HID_CH), jnp.float32, -s2, s2)
    b2 = jnp.zeros((HID_CH,), jnp.float32)
    W_mu = jax.random.uniform(ks[4], (HID_CH, OUT_CH), jnp.float32, -s2, s2)
    b_mu = jnp.zeros((OUT_CH,), jnp.float32)
    W_ls = jax.random.uniform(ks[5], (HID_CH, OUT_CH), jnp.float32, -s2, s2)
    b_ls = jnp.zeros((OUT_CH,), jnp.float32)
    return {"x": x, "edge_index": edge_index, "W1": W1, "b1": b1, "W2": W2, "b2": b2,
            "W_mu": W_mu, "b_mu": b_mu, "W_ls": W_ls, "b_ls": b_ls}


def reference(x, edge_index, W1, b1, W2, b2, W_mu, b_mu, W_ls, b_ls):
    # num_layers=2, use_batch_norm=False: GCNConv -> ReLU -> GCNConv -> ReLU
    h = gcn_conv(x, edge_index, W1, b1)
    h = jax.nn.relu(h)
    h = gcn_conv(h, edge_index, W2, b2)
    h = jax.nn.relu(h)
    mu = gcn_conv(h, edge_index, W_mu, b_mu)
    logstd = gcn_conv(h, edge_index, W_ls, b_ls)
    return (mu, logstd)

if __name__ == "__main__":
    import jax
    _d = setup_inputs()
    print(jax.jit(kernel)(*tuple(_d.values())))

</pallas_src>

<mosaic_0001>
#map = affine_map<(d0, d1) -> (0, 0, 0)>
#map1 = affine_map<(d0, d1) -> (0, 0)>
module attributes {stable_mosaic.version = 14 : i64} {
  func.func @deg_kernel(%arg0: i32, %arg1: i32, %arg2: memref<32x125x80xi32, #tpu.memory_space<hbm>>, %arg3: memref<10112x128xf32, #tpu.memory_space<hbm>>, %arg4: memref<80x128xf32, #tpu.memory_space<hbm>>, %arg5: memref<2x10112x128xf32, #tpu.memory_space<hbm>>, %arg6: memref<125x80xi32, #tpu.memory_space<vmem>>, %arg7: memref<80x128xf32, #tpu.memory_space<vmem>>, %arg8: memref<10112x128xf32, #tpu.memory_space<vmem_shared>>) attributes {dimension_semantics = [#tpu.dimension_semantics<core_parallel>, #tpu.dimension_semantics<subcore_parallel>], iteration_bounds = array<i64: 2, 16>, scalar_prefetch = 0 : i64, scratch_operands = 3 : i64, tpu.core_type = #tpu.core_type<sc_vector_subcore>, window_params = [{transform_indices = #map}, {transform_indices = #map1}, {transform_indices = #map1}, {transform_indices = #map}]} {
    %mul3A = arith.constant 2 : i32
    %mul3A_0 = arith.muli %arg1, %mul3A : i32
    %add3A = arith.addi %mul3A_0, %arg0 : i32
    %mul3A_1 = arith.constant 632 : i32
    %mul3A_2 = arith.muli %arg1, %mul3A_1 : i32
    %mul3A_3 = arith.constant 632 : i32
    %mul3A_4 = arith.muli %arg1, %mul3A_3 : i32
    "tpu.region"() ({
      %run_scoped3A = tpu.sem_alloc : memref<!tpu.dma_semaphore, #tpu.memory_space<semaphore_mem>>
      %dma_start3A = arith.constant 0 : i32
      %dma_start3A_14 = tpu.memref_slice %arg8[%mul3A_4, %dma_start3A] : memref<10112x128xf32, #tpu.memory_space<vmem_shared>> -> memref<632x128xf32, #tpu.memory_space<vmem_shared>>
      %dma_start3A_15 = arith.constant 0 : i32
      %dma_start3A_16 = tpu.memref_slice %arg3[%mul3A_2, %dma_start3A_15] : memref<10112x128xf32, #tpu.memory_space<hbm>> -> memref<632x128xf32, #tpu.memory_space<hbm>>
      tpu.enqueue_dma source(%dma_start3A_16 : memref<632x128xf32, #tpu.memory_space<hbm>>) target(%dma_start3A_14 : memref<632x128xf32, #tpu.memory_space<vmem_shared>>) target_semaphore(%run_scoped3A : memref<!tpu.dma_semaphore, #tpu.memory_space<semaphore_mem>>)
      %dma_wait3A = arith.constant 0 : i32
      %dma_wait3A_17 = tpu.memref_slice %arg8[%mul3A_4, %dma_wait3A] : memref<10112x128xf32, #tpu.memory_space<vmem_shared>> -> memref<632x128xf32, #tpu.memory_space<vmem_shared>>
      %dma_wait3A_18 = arith.constant 0 : i32
      %dma_wait3A_19 = tpu.memref_slice %arg3[%mul3A_2, %dma_wait3A_18] : memref<10112x128xf32, #tpu.memory_space<hbm>> -> memref<632x128xf32, #tpu.memory_space<hbm>>
      tpu.wait_dma2 semaphore(%run_scoped3A : memref<!tpu.dma_semaphore, #tpu.memory_space<semaphore_mem>>) src(%dma_wait3A_19 : memref<632x128xf32, #tpu.memory_space<hbm>>) dst(%dma_wait3A_17 : memref<632x128xf32, #tpu.memory_space<vmem_shared>>)
      tpu.yield
    }) : () -> ()
    "tpu.region"() ({
      %run_scoped3A = tpu.sem_alloc : memref<!tpu.dma_semaphore, #tpu.memory_space<semaphore_mem>>
      %dma_start3A = arith.constant 0 : i32
      %dma_start3A_14 = arith.constant 0 : i32
      %dma_start3A_15 = tpu.memref_slice %arg2[%add3A, %dma_start3A, %dma_start3A_14] : memref<32x125x80xi32, #tpu.memory_space<hbm>> -> memref<1x125x80xi32, #tpu.memory_space<hbm>>
      %dma_start3A_16 = tpu.memref_squeeze %dma_start3A_15 : memref<1x125x80xi32, #tpu.memory_space<hbm>> -> memref<125x80xi32, #tpu.memory_space<hbm>>
      %dma_start3A_17 = arith.constant 0 : i32
      %dma_start3A_18 = arith.constant 0 : i32
      %dma_start3A_19 = tpu.memref_slice %arg2[%add3A, %dma_start3A_17, %dma_start3A_18] : memref<32x125x80xi32, #tpu.memory_space<hbm>> -> memref<1x125x80xi32, #tpu.memory_space<hbm>>
      %dma_start3A_20 = tpu.memref_squeeze %dma_start3A_19 : memref<1x125x80xi32, #tpu.memory_space<hbm>> -> memref<125x80xi32, #tpu.memory_space<hbm>>
      tpu.enqueue_dma source(%dma_start3A_20 : memref<125x80xi32, #tpu.memory_space<hbm>>) target(%arg6 : memref<125x80xi32, #tpu.memory_space<vmem>>) target_semaphore(%run_scoped3A : memref<!tpu.dma_semaphore, #tpu.memory_space<semaphore_mem>>)
      %dma_wait3A = arith.constant 0 : i32
      %dma_wait3A_21 = arith.constant 0 : i32
      %dma_wait3A_22 = tpu.memref_slice %arg2[%add3A, %dma_wait3A, %dma_wait3A_21] : memref<32x125x80xi32, #tpu.memory_space<hbm>> -> memref<1x125x80xi32, #tpu.memory_space<hbm>>
      %dma_wait3A_23 = tpu.memref_squeeze %dma_wait3A_22 : memref<1x125x80xi32, #tpu.memory_space<hbm>> -> memref<125x80xi32, #tpu.memory_space<hbm>>
      %dma_wait3A_24 = arith.constant 0 : i32
      %dma_wait3A_25 = arith.constant 0 : i32
      %dma_wait3A_26 = tpu.memref_slice %arg2[%add3A, %dma_wait3A_24, %dma_wait3A_25] : memref<32x125x80xi32, #tpu.memory_space<hbm>> -> memref<1x125x80xi32, #tpu.memory_space<hbm>>
      %dma_wait3A_27 = tpu.memref_squeeze %dma_wait3A_26 : memref<1x125x80xi32, #tpu.memory_space<hbm>> -> memref<125x80xi32, #tpu.memory_space<hbm>>
      tpu.wait_dma2 semaphore(%run_scoped3A : memref<!tpu.dma_semaphore, #tpu.memory_space<semaphore_mem>>) src(%dma_wait3A_27 : memref<125x80xi32, #tpu.memory_space<hbm>>) dst(%arg6 : memref<125x80xi32, #tpu.memory_space<vmem>>)
      tpu.yield
    }) : () -> ()
    "tpu.region"() ({
      %run_scoped3A = tpu.sem_alloc : memref<!tpu.dma_semaphore, #tpu.memory_space<semaphore_mem>>
      tpu.enqueue_dma source(%arg4 : memref<80x128xf32, #tpu.memory_space<hbm>>) target(%arg7 : memref<80x128xf32, #tpu.memory_space<vmem>>) target_semaphore(%run_scoped3A : memref<!tpu.dma_semaphore, #tpu.memory_space<semaphore_mem>>)
      tpu.wait_dma2 semaphore(%run_scoped3A : memref<!tpu.dma_semaphore, #tpu.memory_space<semaphore_mem>>) src(%arg4 : memref<80x128xf32, #tpu.memory_space<hbm>>) dst(%arg7 : memref<80x128xf32, #tpu.memory_space<vmem>>)
      tpu.yield
    }) : () -> ()
    %barrier3A = arith.constant 0 : index
    tpu.barrier barrier_id(%barrier3A)
    %scan3A = arith.constant 0 : i32
    %scan3A_5 = arith.constant 125 : i32
    %scan3A_6 = arith.addi %scan3A, %scan3A_5 : i32
    %scan3A_7 = arith.constant 1 : i32
    scf.for %scan3A_14 = %scan3A to %scan3A_6 step %scan3A_7  : i32 {
      %mul3A_15 = arith.constant 1 : i32
      %mul3A_16 = arith.muli %scan3A_14, %mul3A_15 : i32
      %add3A_17 = arith.constant 0 : i32
      %add3A_18 = arith.addi %add3A_17, %mul3A_16 : i32
      "tpu.region"() ({
        %run_scoped3A = tpu.sem_alloc : memref<!tpu.dma_semaphore, #tpu.memory_space<semaphore_mem>>
        %dma_start3A = arith.constant 0 : i32
        %dma_start3A_19 = tpu.memref_slice %arg6[%add3A_18, %dma_start3A] : memref<125x80xi32, #tpu.memory_space<vmem>> -> memref<1x80xi32, #tpu.memory_space<vmem>>
        %dma_start3A_20 = tpu.memref_squeeze %dma_start3A_19 : memref<1x80xi32, #tpu.memory_space<vmem>> -> memref<80xi32, #tpu.memory_space<vmem>>
        %dma_start3A_21 = arith.constant 0 : i32
        %dma_start3A_22 = arith.constant 0 : i32
        %dma_start3A_23 = tpu.memref_slice %arg8[%dma_start3A_21, %dma_start3A_22] : memref<10112x128xf32, #tpu.memory_space<vmem_shared>> -> memref<10112x128xf32, #tpu.memory_space<vmem_shared>>
        tpu.enqueue_indirect_dma source(%arg7 : memref<80x128xf32, #tpu.memory_space<vmem>>) target(%dma_start3A_23 : memref<10112x128xf32, #tpu.memory_space<vmem_shared>>) offsets(%dma_start3A_20 : memref<80xi32, #tpu.memory_space<vmem>>) semaphore(%run_scoped3A : memref<!tpu.dma_semaphore, #tpu.memory_space<semaphore_mem>>) {add = true}
        %dma_wait3A = arith.constant 0 : i32
        %dma_wait3A_24 = tpu.memref_slice %arg6[%add3A_18, %dma_wait3A] : memref<125x80xi32, #tpu.memory_space<vmem>> -> memref<1x80xi32, #tpu.memory_space<vmem>>
        %dma_wait3A_25 = tpu.memref_squeeze %dma_wait3A_24 : memref<1x80xi32, #tpu.memory_space<vmem>> -> memref<80xi32, #tpu.memory_space<vmem>>
        %dma_wait3A_26 = arith.constant 0 : i32
        %dma_wait3A_27 = arith.constant 0 : i32
        %dma_wait3A_28 = tpu.memref_slice %arg8[%dma_wait3A_26, %dma_wait3A_27] : memref<10112x128xf32, #tpu.memory_space<vmem_shared>> -> memref<10112x128xf32, #tpu.memory_space<vmem_shared>>
        tpu.wait_indirect_dma semaphore(%run_scoped3A : memref<!tpu.dma_semaphore, #tpu.memory_space<semaphore_mem>>) src(%arg7 : memref<80x128xf32, #tpu.memory_space<vmem>>) dst(%dma_wait3A_28 : memref<10112x128xf32, #tpu.memory_space<vmem_shared>>)
        tpu.yield
      }) : () -> ()
    }
    %scan3A_8 = arith.constant 125 : i32
    %barrier3A_9 = arith.constant 0 : index
    tpu.barrier barrier_id(%barrier3A_9)
    %mul3A_10 = arith.constant 632 : i32
    %mul3A_11 = arith.muli %arg1, %mul3A_10 : i32
    %mul3A_12 = arith.constant 632 : i32
    %mul3A_13 = arith.muli %arg1, %mul3A_12 : i32
    "tpu.region"() ({
      %run_scoped3A = tpu.sem_alloc : memref<!tpu.dma_semaphore, #tpu.memory_space<semaphore_mem>>
      %dma_start3A = arith.constant 0 : i32
      %dma_start3A_14 = tpu.memref_slice %arg5[%arg0, %mul3A_13, %dma_start3A] : memref<2x10112x128xf32, #tpu.memory_space<hbm>> -> memref<1x632x128xf32, #tpu.memory_space<hbm>>
      %dma_start3A_15 = tpu.memref_squeeze %dma_start3A_14 : memref<1x632x128xf32, #tpu.memory_space<hbm>> -> memref<632x128xf32, #tpu.memory_space<hbm>>
      %dma_start3A_16 = arith.constant 0 : i32
      %dma_start3A_17 = tpu.memref_slice %arg8[%mul3A_11, %dma_start3A_16] : memref<10112x128xf32, #tpu.memory_space<vmem_shared>> -> memref<632x128xf32, #tpu.memory_space<vmem_shared>>
      tpu.enqueue_dma source(%dma_start3A_17 : memref<632x128xf32, #tpu.memory_space<vmem_shared>>) target(%dma_start3A_15 : memref<632x128xf32, #tpu.memory_space<hbm>>) target_semaphore(%run_scoped3A : memref<!tpu.dma_semaphore, #tpu.memory_space<semaphore_mem>>)
      %dma_wait3A = arith.constant 0 : i32
      %dma_wait3A_18 = tpu.memref_slice %arg5[%arg0, %mul3A_13, %dma_wait3A] : memref<2x10112x128xf32, #tpu.memory_space<hbm>> -> memref<1x632x128xf32, #tpu.memory_space<hbm>>
      %dma_wait3A_19 = tpu.memref_squeeze %dma_wait3A_18 : memref<1x632x128xf32, #tpu.memory_space<hbm>> -> memref<632x128xf32, #tpu.memory_space<hbm>>
      %dma_wait3A_20 = arith.constant 0 : i32
      %dma_wait3A_21 = tpu.memref_slice %arg8[%mul3A_11, %dma_wait3A_20] : memref<10112x128xf32, #tpu.memory_space<vmem_shared>> -> memref<632x128xf32, #tpu.memory_space<vmem_shared>>
      tpu.wait_dma2 semaphore(%run_scoped3A : memref<!tpu.dma_semaphore, #tpu.memory_space<semaphore_mem>>) src(%dma_wait3A_21 : memref<632x128xf32, #tpu.memory_space<vmem_shared>>) dst(%dma_wait3A_19 : memref<632x128xf32, #tpu.memory_space<hbm>>)
      tpu.yield
    }) : () -> ()
    return
  }
}

#map = affine_map<(d0, d1) -> (0, 0)>
#map1 = affine_map<(d0, d1) -> (0)>
#map2 = affine_map<(d0, d1) -> (0, 0, 0)>
module attributes {stable_mosaic.version = 14 : i64} {
  func.func @agg_kernel(%arg0: i32, %arg1: i32, %arg2: memref<10000x128xf32, #tpu.memory_space<hbm>>, %arg3: memref<320000xi32, #tpu.memory_space<hbm>>, %arg4: memref<32x125x80xi32, #tpu.memory_space<hbm>>, %arg5: memref<10112x128xf32, #tpu.memory_space<hbm>>, %arg6: memref<2x10112x128xf32, #tpu.memory_space<hbm>>, %arg7: memref<10000xi32, #tpu.memory_space<vmem>>, %arg8: memref<125x80xi32, #tpu.memory_space<vmem>>, %arg9: memref<80x128xf32, #tpu.memory_space<vmem>>, %arg10: memref<80x128xf32, #tpu.memory_space<vmem>>, %arg11: memref<10112x128xf32, #tpu.memory_space<vmem_shared>>, %arg12: memref<!tpu.dma_semaphore, #tpu.memory_space<semaphore_mem>>, %arg13: memref<!tpu.dma_semaphore, #tpu.memory_space<semaphore_mem>>) attributes {dimension_semantics = [#tpu.dimension_semantics<core_parallel>, #tpu.dimension_semantics<subcore_parallel>], iteration_bounds = array<i64: 2, 16>, scalar_prefetch = 0 : i64, scratch_operands = 7 : i64, tpu.core_type = #tpu.core_type<sc_vector_subcore>, window_params = [{transform_indices = #map}, {transform_indices = #map1}, {transform_indices = #map2}, {transform_indices = #map}, {transform_indices = #map2}]} {
    %mul3A = arith.constant 2 : i32
    %mul3A_0 = arith.muli %arg1, %mul3A : i32
    %add3A = arith.addi %mul3A_0, %arg0 : i32
    %mul3A_1 = arith.constant 632 : i32
    %mul3A_2 = arith.muli %arg1, %mul3A_1 : i32
    %mul3A_3 = arith.constant 632 : i32
    %mul3A_4 = arith.muli %arg1, %mul3A_3 : i32
    "tpu.region"() ({
      %run_scoped3A_24 = tpu.sem_alloc : memref<!tpu.dma_semaphore, #tpu.memory_space<semaphore_mem>>
      %dma_start3A_25 = arith.constant 0 : i32
      %dma_start3A_26 = tpu.memref_slice %arg11[%mul3A_4, %dma_start3A_25] : memref<10112x128xf32, #tpu.memory_space<vmem_shared>> -> memref<632x128xf32, #tpu.memory_space<vmem_shared>>
      %dma_start3A_27 = arith.constant 0 : i32
      %dma_start3A_28 = tpu.memref_slice %arg5[%mul3A_2, %dma_start3A_27] : memref<10112x128xf32, #tpu.memory_space<hbm>> -> memref<632x128xf32, #tpu.memory_space<hbm>>
      tpu.enqueue_dma source(%dma_start3A_28 : memref<632x128xf32, #tpu.memory_space<hbm>>) target(%dma_start3A_26 : memref<632x128xf32, #tpu.memory_space<vmem_shared>>) target_semaphore(%run_scoped3A_24 : memref<!tpu.dma_semaphore, #tpu.memory_space<semaphore_mem>>)
      %dma_wait3A_29 = arith.constant 0 : i32
      %dma_wait3A_30 = tpu.memref_slice %arg11[%mul3A_4, %dma_wait3A_29] : memref<10112x128xf32, #tpu.memory_space<vmem_shared>> -> memref<632x128xf32, #tpu.memory_space<vmem_shared>>
      %dma_wait3A_31 = arith.constant 0 : i32
      %dma_wait3A_32 = tpu.memref_slice %arg5[%mul3A_2, %dma_wait3A_31] : memref<10112x128xf32, #tpu.memory_space<hbm>> -> memref<632x128xf32, #tpu.memory_space<hbm>>
      tpu.wait_dma2 semaphore(%run_scoped3A_24 : memref<!tpu.dma_semaphore, #tpu.memory_space<semaphore_mem>>) src(%dma_wait3A_32 : memref<632x128xf32, #tpu.memory_space<hbm>>) dst(%dma_wait3A_30 : memref<632x128xf32, #tpu.memory_space<vmem_shared>>)
      tpu.yield
    }) : () -> ()
    %mul3A_5 = arith.constant 10000 : i32
    %mul3A_6 = arith.muli %add3A, %mul3A_5 : i32
    "tpu.region"() ({
      %run_scoped3A_24 = tpu.sem_alloc : memref<!tpu.dma_semaphore, #tpu.memory_space<semaphore_mem>>
      %dma_start3A_25 = tpu.memref_slice %arg3[%mul3A_6] : memref<320000xi32, #tpu.memory_space<hbm>> -> memref<10000xi32, #tpu.memory_space<hbm>>
      %dma_start3A_26 = tpu.memref_slice %arg3[%mul3A_6] : memref<320000xi32, #tpu.memory_space<hbm>> -> memref<10000xi32, #tpu.memory_space<hbm>>
      tpu.enqueue_dma source(%dma_start3A_26 : memref<10000xi32, #tpu.memory_space<hbm>>) target(%arg7 : memref<10000xi32, #tpu.memory_space<vmem>>) target_semaphore(%run_scoped3A_24 : memref<!tpu.dma_semaphore, #tpu.memory_space<semaphore_mem>>)
      %dma_wait3A_27 = tpu.memref_slice %arg3[%mul3A_6] : memref<320000xi32, #tpu.memory_space<hbm>> -> memref<10000xi32, #tpu.memory_space<hbm>>
      %dma_wait3A_28 = tpu.memref_slice %arg3[%mul3A_6] : memref<320000xi32, #tpu.memory_space<hbm>> -> memref<10000xi32, #tpu.memory_space<hbm>>
      tpu.wait_dma2 semaphore(%run_scoped3A_24 : memref<!tpu.dma_semaphore, #tpu.memory_space<semaphore_mem>>) src(%dma_wait3A_28 : memref<10000xi32, #tpu.memory_space<hbm>>) dst(%arg7 : memref<10000xi32, #tpu.memory_space<vmem>>)
      tpu.yield
    }) : () -> ()
    "tpu.region"() ({
      %run_scoped3A_24 = tpu.sem_alloc : memref<!tpu.dma_semaphore, #tpu.memory_space<semaphore_mem>>
      %dma_start3A_25 = arith.constant 0 : i32
      %dma_start3A_26 = arith.constant 0 : i32
      %dma_start3A_27 = tpu.memref_slice %arg4[%add3A, %dma_start3A_25, %dma_start3A_26] : memref<32x125x80xi32, #tpu.memory_space<hbm>> -> memref<1x125x80xi32, #tpu.memory_space<hbm>>
      %dma_start3A_28 = tpu.memref_squeeze %dma_start3A_27 : memref<1x125x80xi32, #tpu.memory_space<hbm>> -> memref<125x80xi32, #tpu.memory_space<hbm>>
      %dma_start3A_29 = arith.constant 0 : i32
      %dma_start3A_30 = arith.constant 0 : i32
      %dma_start3A_31 = tpu.memref_slice %arg4[%add3A, %dma_start3A_29, %dma_start3A_30] : memref<32x125x80xi32, #tpu.memory_space<hbm>> -> memref<1x125x80xi32, #tpu.memory_space<hbm>>
      %dma_start3A_32 = tpu.memref_squeeze %dma_start3A_31 : memref<1x125x80xi32, #tpu.memory_space<hbm>> -> memref<125x80xi32, #tpu.memory_space<hbm>>
      tpu.enqueue_dma source(%dma_start3A_32 : memref<125x80xi32, #tpu.memory_space<hbm>>) target(%arg8 : memref<125x80xi32, #tpu.memory_space<vmem>>) target_semaphore(%run_scoped3A_24 : memref<!tpu.dma_semaphore, #tpu.memory_space<semaphore_mem>>)
      %dma_wait3A_33 = arith.constant 0 : i32
      %dma_wait3A_34 = arith.constant 0 : i32
      %dma_wait3A_35 = tpu.memref_slice %arg4[%add3A, %dma_wait3A_33, %dma_wait3A_34] : memref<32x125x80xi32, #tpu.memory_space<hbm>> -> memref<1x125x80xi32, #tpu.memory_space<hbm>>
      %dma_wait3A_36 = tpu.memref_squeeze %dma_wait3A_35 : memref<1x125x80xi32, #tpu.memory_space<hbm>> -> memref<125x80xi32, #tpu.memory_space<hbm>>
      %dma_wait3A_37 = arith.constant 0 : i32
      %dma_wait3A_38 = arith.constant 0 : i32
      %dma_wait3A_39 = tpu.memref_slice %arg4[%add3A, %dma_wait3A_37, %dma_wait3A_38] : memref<32x125x80xi32, #tpu.memory_space<hbm>> -> memref<1x125x80xi32, #tpu.memory_space<hbm>>
      %dma_wait3A_40 = tpu.memref_squeeze %dma_wait3A_39 : memref<1x125x80xi32, #tpu.memory_space<hbm>> -> memref<125x80xi32, #tpu.memory_space<hbm>>
      tpu.wait_dma2 semaphore(%run_scoped3A_24 : memref<!tpu.dma_semaphore, #tpu.memory_space<semaphore_mem>>) src(%dma_wait3A_40 : memref<125x80xi32, #tpu.memory_space<hbm>>) dst(%arg8 : memref<125x80xi32, #tpu.memory_space<vmem>>)
      tpu.yield
    }) : () -> ()
    %barrier3A = arith.constant 0 : index
    tpu.barrier barrier_id(%barrier3A)
    %dma_start3A = arith.constant 0 : i32
    %dma_start3A_7 = tpu.memref_slice %arg7[%dma_start3A] : memref<10000xi32, #tpu.memory_space<vmem>> -> memref<80xi32, #tpu.memory_space<vmem>>
    %dma_start3A_8 = arith.constant 0 : i32
    %dma_start3A_9 = arith.constant 0 : i32
    %dma_start3A_10 = tpu.memref_slice %arg2[%dma_start3A_8, %dma_start3A_9] : memref<10000x128xf32, #tpu.memory_space<hbm>> -> memref<10000x128xf32, #tpu.memory_space<hbm>>
    tpu.enqueue_indirect_dma source(%dma_start3A_10 : memref<10000x128xf32, #tpu.memory_space<hbm>>) target(%arg9 : memref<80x128xf32, #tpu.memory_space<vmem>>) offsets(%dma_start3A_7 : memref<80xi32, #tpu.memory_space<vmem>>) semaphore(%arg12 : memref<!tpu.dma_semaphore, #tpu.memory_space<semaphore_mem>>)
    %scan3A = arith.constant 0 : i32
    %scan3A_11 = arith.constant 62 : i32
    %scan3A_12 = arith.addi %scan3A, %scan3A_11 : i32
    %scan3A_13 = arith.constant 1 : i32
    scf.for %scan3A_24 = %scan3A to %scan3A_12 step %scan3A_13  : i32 {
      %mul3A_25 = arith.constant 1 : i32
      %mul3A_26 = arith.muli %scan3A_24, %mul3A_25 : i32
      %add3A_27 = arith.constant 0 : i32
      %add3A_28 = arith.addi %add3A_27, %mul3A_26 : i32
      %mul3A_29 = arith.constant 2 : i32
      %mul3A_30 = arith.muli %mul3A_29, %add3A_28 : i32
      %mul3A_31 = arith.constant 2 : i32
      %mul3A_32 = arith.muli %mul3A_31, %add3A_28 : i32
      %add3A_33 = arith.constant 1 : i32
      %add3A_34 = arith.addi %mul3A_32, %add3A_33 : i32
      %mul3A_35 = arith.constant 80 : i32
      %mul3A_36 = arith.muli %add3A_34, %mul3A_35 : i32
      %dma_start3A_37 = tpu.memref_slice %arg7[%mul3A_36] : memref<10000xi32, #tpu.memory_space<vmem>> -> memref<80xi32, #tpu.memory_space<vmem>>
      %dma_start3A_38 = arith.constant 0 : i32
      %dma_start3A_39 = arith.constant 0 : i32
      %dma_start3A_40 = tpu.memref_slice %arg2[%dma_start3A_38, %dma_start3A_39] : memref<10000x128xf32, #tpu.memory_space<hbm>> -> memref<10000x128xf32, #tpu.memory_space<hbm>>
      tpu.enqueue_indirect_dma source(%dma_start3A_40 : memref<10000x128xf32, #tpu.memory_space<hbm>>) target(%arg10 : memref<80x128xf32, #tpu.memory_space<vmem>>) offsets(%dma_start3A_37 : memref<80xi32, #tpu.memory_space<vmem>>) semaphore(%arg13 : memref<!tpu.dma_semaphore, #tpu.memory_space<semaphore_mem>>)
      %dma_wait3A_41 = arith.constant 0 : i32
      %dma_wait3A_42 = tpu.memref_slice %arg7[%dma_wait3A_41] : memref<10000xi32, #tpu.memory_space<vmem>> -> memref<80xi32, #tpu.memory_space<vmem>>
      %dma_wait3A_43 = arith.constant 0 : i32
      %dma_wait3A_44 = arith.constant 0 : i32
      %dma_wait3A_45 = tpu.memref_slice %arg2[%dma_wait3A_43, %dma_wait3A_44] : memref<10000x128xf32, #tpu.memory_space<hbm>> -> memref<10000x128xf32, #tpu.memory_space<hbm>>
      tpu.wait_indirect_dma semaphore(%arg12 : memref<!tpu.dma_semaphore, #tpu.memory_space<semaphore_mem>>) src(%dma_wait3A_45 : memref<10000x128xf32, #tpu.memory_space<hbm>>) dst(%arg9 : memref<80x128xf32, #tpu.memory_space<vmem>>)
      "tpu.region"() ({
        %run_scoped3A_59 = tpu.sem_alloc : memref<!tpu.dma_semaphore, #tpu.memory_space<semaphore_mem>>
        %dma_start3A_60 = arith.constant 0 : i32
        %dma_start3A_61 = tpu.memref_slice %arg8[%mul3A_30, %dma_start3A_60] : memref<125x80xi32, #tpu.memory_space<vmem>> -> memref<1x80xi32, #tpu.memory_space<vmem>>
        %dma_start3A_62 = tpu.memref_squeeze %dma_start3A_61 : memref<1x80xi32, #tpu.memory_space<vmem>> -> memref<80xi32, #tpu.memory_space<vmem>>
        %dma_start3A_63 = arith.constant 0 : i32
        %dma_start3A_64 = arith.constant 0 : i32
        %dma_start3A_65 = tpu.memref_slice %arg11[%dma_start3A_63, %dma_start3A_64] : memref<10112x128xf32, #tpu.memory_space<vmem_shared>> -> memref<10112x128xf32, #tpu.memory_space<vmem_shared>>
        tpu.enqueue_indirect_dma source(%arg9 : memref<80x128xf32, #tpu.memory_space<vmem>>) target(%dma_start3A_65 : memref<10112x128xf32, #tpu.memory_space<vmem_shared>>) offsets(%dma_start3A_62 : memref<80xi32, #tpu.memory_space<vmem>>) semaphore(%run_scoped3A_59 : memref<!tpu.dma_semaphore, #tpu.memory_space<semaphore_mem>>) {add = true}
        %dma_wait3A_66 = arith.constant 0 : i32
        %dma_wait3A_67 = tpu.memref_slice %arg8[%mul3A_30, %dma_wait3A_66] : memref<125x80xi32, #tpu.memory_space<vmem>> -> memref<1x80xi32, #tpu.memory_space<vmem>>
        %dma_wait3A_68 = tpu.memref_squeeze %dma_wait3A_67 : memref<1x80xi32, #tpu.memory_space<vmem>> -> memref<80xi32, #tpu.memory_space<vmem>>
        %dma_wait3A_69 = arith.constant 0 : i32
        %dma_wait3A_70 = arith.constant 0 : i32
        %dma_wait3A_71 = tpu.memref_slice %arg11[%dma_wait3A_69, %dma_wait3A_70] : memref<10112x128xf32, #tpu.memory_space<vmem_shared>> -> memref<10112x128xf32, #tpu.memory_space<vmem_shared>>
        tpu.wait_indirect_dma semaphore(%run_scoped3A_59 : memref<!tpu.dma_semaphore, #tpu.memory_space<semaphore_mem>>) src(%arg9 : memref<80x128xf32, #tpu.memory_space<vmem>>) dst(%dma_wait3A_71 : memref<10112x128xf32, #tpu.memory_space<vmem_shared>>)
        tpu.yield
      }) : () -> ()
      %add3A_46 = arith.constant 2 : i32
      %add3A_47 = arith.addi %mul3A_30, %add3A_46 : i32
      %mul3A_48 = arith.constant 80 : i32
      %mul3A_49 = arith.muli %add3A_47, %mul3A_48 : i32
      %dma_start3A_50 = tpu.memref_slice %arg7[%mul3A_49] : memref<10000xi32, #tpu.memory_space<vmem>> -> memref<80xi32, #tpu.memory_space<vmem>>
      %dma_start3A_51 = arith.constant 0 : i32
      %dma_start3A_52 = arith.constant 0 : i32
      %dma_start3A_53 = tpu.memref_slice %arg2[%dma_start3A_51, %dma_start3A_52] : memref<10000x128xf32, #tpu.memory_space<hbm>> -> memref<10000x128xf32, #tpu.memory_space<hbm>>
      tpu.enqueue_indirect_dma source(%dma_start3A_53 : memref<10000x128xf32, #tpu.memory_space<hbm>>) target(%arg9 : memref<80x128xf32, #tpu.memory_space<vmem>>) offsets(%dma_start3A_50 : memref<80xi32, #tpu.memory_space<vmem>>) semaphore(%arg12 : memref<!tpu.dma_semaphore, #tpu.memory_space<semaphore_mem>>)
      %dma_wait3A_54 = arith.constant 0 : i32
      %dma_wait3A_55 = tpu.memref_slice %arg7[%dma_wait3A_54] : memref<10000xi32, #tpu.memory_space<vmem>> -> memref<80xi32, #tpu.memory_space<vmem>>
      %dma_wait3A_56 = arith.constant 0 : i32
      %dma_wait3A_57 = arith.constant 0 : i32
      %dma_wait3A_58 = tpu.memref_slice %arg2[%dma_wait3A_56, %dma_wait3A_57] : memref<10000x128xf32, #tpu.memory_space<hbm>> -> memref<10000x128xf32, #tpu.memory_space<hbm>>
      tpu.wait_indirect_dma semaphore(%arg13 : memref<!tpu.dma_semaphore, #tpu.memory_space<semaphore_mem>>) src(%dma_wait3A_58 : memref<10000x128xf32, #tpu.memory_space<hbm>>) dst(%arg10 : memref<80x128xf32, #tpu.memory_space<vmem>>)
      "tpu.region"() ({
        %run_scoped3A_59 = tpu.sem_alloc : memref<!tpu.dma_semaphore, #tpu.memory_space<semaphore_mem>>
        %dma_start3A_60 = arith.constant 0 : i32
        %dma_start3A_61 = tpu.memref_slice %arg8[%add3A_34, %dma_start3A_60] : memref<125x80xi32, #tpu.memory_space<vmem>> -> memref<1x80xi32, #tpu.memory_space<vmem>>
        %dma_start3A_62 = tpu.memref_squeeze %dma_start3A_61 : memref<1x80xi32, #tpu.memory_space<vmem>> -> memref<80xi32, #tpu.memory_space<vmem>>
        %dma_start3A_63 = arith.constant 0 : i32
        %dma_start3A_64 = arith.constant 0 : i32
        %dma_start3A_65 = tpu.memref_slice %arg11[%dma_start3A_63, %dma_start3A_64] : memref<10112x128xf32, #tpu.memory_space<vmem_shared>> -> memref<10112x128xf32, #tpu.memory_space<vmem_shared>>
        tpu.enqueue_indirect_dma source(%arg10 : memref<80x128xf32, #tpu.memory_space<vmem>>) target(%dma_start3A_65 : memref<10112x128xf32, #tpu.memory_space<vmem_shared>>) offsets(%dma_start3A_62 : memref<80xi32, #tpu.memory_space<vmem>>) semaphore(%run_scoped3A_59 : memref<!tpu.dma_semaphore, #tpu.memory_space<semaphore_mem>>) {add = true}
        %dma_wait3A_66 = arith.constant 0 : i32
        %dma_wait3A_67 = tpu.memref_slice %arg8[%add3A_34, %dma_wait3A_66] : memref<125x80xi32, #tpu.memory_space<vmem>> -> memref<1x80xi32, #tpu.memory_space<vmem>>
        %dma_wait3A_68 = tpu.memref_squeeze %dma_wait3A_67 : memref<1x80xi32, #tpu.memory_space<vmem>> -> memref<80xi32, #tpu.memory_space<vmem>>
        %dma_wait3A_69 = arith.constant 0 : i32
        %dma_wait3A_70 = arith.constant 0 : i32
        %dma_wait3A_71 = tpu.memref_slice %arg11[%dma_wait3A_69, %dma_wait3A_70] : memref<10112x128xf32, #tpu.memory_space<vmem_shared>> -> memref<10112x128xf32, #tpu.memory_space<vmem_shared>>
        tpu.wait_indirect_dma semaphore(%run_scoped3A_59 : memref<!tpu.dma_semaphore, #tpu.memory_space<semaphore_mem>>) src(%arg10 : memref<80x128xf32, #tpu.memory_space<vmem>>) dst(%dma_wait3A_71 : memref<10112x128xf32, #tpu.memory_space<vmem_shared>>)
        tpu.yield
      }) : () -> ()
    }
    %scan3A_14 = arith.constant 62 : i32
    %dma_wait3A = arith.constant 0 : i32
    %dma_wait3A_15 = tpu.memref_slice %arg7[%dma_wait3A] : memref<10000xi32, #tpu.memory_space<vmem>> -> memref<80xi32, #tpu.memory_space<vmem>>
    %dma_wait3A_16 = arith.constant 0 : i32
    %dma_wait3A_17 = arith.constant 0 : i32
    %dma_wait3A_18 = tpu.memref_slice %arg2[%dma_wait3A_16, %dma_wait3A_17] : memref<10000x128xf32, #tpu.memory_space<hbm>> -> memref<10000x128xf32, #tpu.memory_space<hbm>>
    tpu.wait_indirect_dma semaphore(%arg12 : memref<!tpu.dma_semaphore, #tpu.memory_space<semaphore_mem>>) src(%dma_wait3A_18 : memref<10000x128xf32, #tpu.memory_space<hbm>>) dst(%arg9 : memref<80x128xf32, #tpu.memory_space<vmem>>)
    %run_scoped3A = arith.constant 124 : i32
    "tpu.region"() ({
      %run_scoped3A_24 = tpu.sem_alloc : memref<!tpu.dma_semaphore, #tpu.memory_space<semaphore_mem>>
      %dma_start3A_25 = arith.constant 0 : i32
      %dma_start3A_26 = tpu.memref_slice %arg8[%run_scoped3A, %dma_start3A_25] : memref<125x80xi32, #tpu.memory_space<vmem>> -> memref<1x80xi32, #tpu.memory_space<vmem>>
      %dma_start3A_27 = tpu.memref_squeeze %dma_start3A_26 : memref<1x80xi32, #tpu.memory_space<vmem>> -> memref<80xi32, #tpu.memory_space<vmem>>
      %dma_start3A_28 = arith.constant 0 : i32
      %dma_start3A_29 = arith.constant 0 : i32
      %dma_start3A_30 = tpu.memref_slice %arg11[%dma_start3A_28, %dma_start3A_29] : memref<10112x128xf32, #tpu.memory_space<vmem_shared>> -> memref<10112x128xf32, #tpu.memory_space<vmem_shared>>
      tpu.enqueue_indirect_dma source(%arg9 : memref<80x128xf32, #tpu.memory_space<vmem>>) target(%dma_start3A_30 : memref<10112x128xf32, #tpu.memory_space<vmem_shared>>) offsets(%dma_start3A_27 : memref<80xi32, #tpu.memory_space<vmem>>) semaphore(%run_scoped3A_24 : memref<!tpu.dma_semaphore, #tpu.memory_space<semaphore_mem>>) {add = true}
      %dma_wait3A_31 = arith.constant 0 : i32
      %dma_wait3A_32 = tpu.memref_slice %arg8[%run_scoped3A, %dma_wait3A_31] : memref<125x80xi32, #tpu.memory_space<vmem>> -> memref<1x80xi32, #tpu.memory_space<vmem>>
      %dma_wait3A_33 = tpu.memref_squeeze %dma_wait3A_32 : memref<1x80xi32, #tpu.memory_space<vmem>> -> memref<80xi32, #tpu.memory_space<vmem>>
      %dma_wait3A_34 = arith.constant 0 : i32
      %dma_wait3A_35 = arith.constant 0 : i32
      %dma_wait3A_36 = tpu.memref_slice %arg11[%dma_wait3A_34, %dma_wait3A_35] : memref<10112x128xf32, #tpu.memory_space<vmem_shared>> -> memref<10112x128xf32, #tpu.memory_space<vmem_shared>>
      tpu.wait_indirect_dma semaphore(%run_scoped3A_24 : memref<!tpu.dma_semaphore, #tpu.memory_space<semaphore_mem>>) src(%arg9 : memref<80x128xf32, #tpu.memory_space<vmem>>) dst(%dma_wait3A_36 : memref<10112x128xf32, #tpu.memory_space<vmem_shared>>)
      tpu.yield
    }) : () -> ()
    %barrier3A_19 = arith.constant 0 : index
    tpu.barrier barrier_id(%barrier3A_19)
    %mul3A_20 = arith.constant 632 : i32
    %mul3A_21 = arith.muli %arg1, %mul3A_20 : i32
    %mul3A_22 = arith.constant 632 : i32
    %mul3A_23 = arith.muli %arg1, %mul3A_22 : i32
    "tpu.region"() ({
      %run_scoped3A_24 = tpu.sem_alloc : memref<!tpu.dma_semaphore, #tpu.memory_space<semaphore_mem>>
      %dma_start3A_25 = arith.constant 0 : i32
      %dma_start3A_26 = tpu.memref_slice %arg6[%arg0, %mul3A_23, %dma_start3A_25] : memref<2x10112x128xf32, #tpu.memory_space<hbm>> -> memref<1x632x128xf32, #tpu.memory_space<hbm>>
      %dma_start3A_27 = tpu.memref_squeeze %dma_start3A_26 : memref<1x632x128xf32, #tpu.memory_space<hbm>> -> memref<632x128xf32, #tpu.memory_space<hbm>>
      %dma_start3A_28 = arith.constant 0 : i32
      %dma_start3A_29 = tpu.memref_slice %arg11[%mul3A_21, %dma_start3A_28] : memref<10112x128xf32, #tpu.memory_space<vmem_shared>> -> memref<632x128xf32, #tpu.memory_space<vmem_shared>>
      tpu.enqueue_dma source(%dma_start3A_29 : memref<632x128xf32, #tpu.memory_space<vmem_shared>>) target(%dma_start3A_27 : memref<632x128xf32, #tpu.memory_space<hbm>>) target_semaphore(%run_scoped3A_24 : memref<!tpu.dma_semaphore, #tpu.memory_space<semaphore_mem>>)
      %dma_wait3A_30 = arith.constant 0 : i32
      %dma_wait3A_31 = tpu.memref_slice %arg6[%arg0, %mul3A_23, %dma_wait3A_30] : memref<2x10112x128xf32, #tpu.memory_space<hbm>> -> memref<1x632x128xf32, #tpu.memory_space<hbm>>
      %dma_wait3A_32 = tpu.memref_squeeze %dma_wait3A_31 : memref<1x632x128xf32, #tpu.memory_space<hbm>> -> memref<632x128xf32, #tpu.memory_space<hbm>>
      %dma_wait3A_33 = arith.constant 0 : i32
      %dma_wait3A_34 = tpu.memref_slice %arg11[%mul3A_21, %dma_wait3A_33] : memref<10112x128xf32, #tpu.memory_space<vmem_shared>> -> memref<632x128xf32, #tpu.memory_space<vmem_shared>>
      tpu.wait_dma2 semaphore(%run_scoped3A_24 : memref<!tpu.dma_semaphore, #tpu.memory_space<semaphore_mem>>) src(%dma_wait3A_34 : memref<632x128xf32, #tpu.memory_space<vmem_shared>>) dst(%dma_wait3A_32 : memref<632x128xf32, #tpu.memory_space<hbm>>)
      tpu.yield
    }) : () -> ()
    return
  }
}

#map = affine_map<(d0, d1) -> (0, 0)>
#map1 = affine_map<(d0, d1) -> (0)>
#map2 = affine_map<(d0, d1) -> (0, 0, 0)>
module attributes {stable_mosaic.version = 14 : i64} {
  func.func @agg_kernel(%arg0: i32, %arg1: i32, %arg2: memref<10000x128xf32, #tpu.memory_space<hbm>>, %arg3: memref<320000xi32, #tpu.memory_space<hbm>>, %arg4: memref<32x125x80xi32, #tpu.memory_space<hbm>>, %arg5: memref<10112x128xf32, #tpu.memory_space<hbm>>, %arg6: memref<2x10112x128xf32, #tpu.memory_space<hbm>>, %arg7: memref<10000xi32, #tpu.memory_space<vmem>>, %arg8: memref<125x80xi32, #tpu.memory_space<vmem>>, %arg9: memref<80x128xf32, #tpu.memory_space<vmem>>, %arg10: memref<80x128xf32, #tpu.memory_space<vmem>>, %arg11: memref<10112x128xf32, #tpu.memory_space<vmem_shared>>, %arg12: memref<!tpu.dma_semaphore, #tpu.memory_space<semaphore_mem>>, %arg13: memref<!tpu.dma_semaphore, #tpu.memory_space<semaphore_mem>>) attributes {dimension_semantics = [#tpu.dimension_semantics<core_parallel>, #tpu.dimension_semantics<subcore_parallel>], iteration_bounds = array<i64: 2, 16>, scalar_prefetch = 0 : i64, scratch_operands = 7 : i64, tpu.core_type = #tpu.core_type<sc_vector_subcore>, window_params = [{transform_indices = #map}, {transform_indices = #map1}, {transform_indices = #map2}, {transform_indices = #map}, {transform_indices = #map2}]} {
    %mul3A = arith.constant 2 : i32
    %mul3A_0 = arith.muli %arg1, %mul3A : i32
    %add3A = arith.addi %mul3A_0, %arg0 : i32
    %mul3A_1 = arith.constant 632 : i32
    %mul3A_2 = arith.muli %arg1, %mul3A_1 : i32
    %mul3A_3 = arith.constant 632 : i32
    %mul3A_4 = arith.muli %arg1, %mul3A_3 : i32
    "tpu.region"() ({
      %run_scoped3A_24 = tpu.sem_alloc : memref<!tpu.dma_semaphore, #tpu.memory_space<semaphore_mem>>
      %dma_start3A_25 = arith.constant 0 : i32
      %dma_start3A_26 = tpu.memref_slice %arg11[%mul3A_4, %dma_start3A_25] : memref<10112x128xf32, #tpu.memory_space<vmem_shared>> -> memref<632x128xf32, #tpu.memory_space<vmem_shared>>
      %dma_start3A_27 = arith.constant 0 : i32
      %dma_start3A_28 = tpu.memref_slice %arg5[%mul3A_2, %dma_start3A_27] : memref<10112x128xf32, #tpu.memory_space<hbm>> -> memref<632x128xf32, #tpu.memory_space<hbm>>
      tpu.enqueue_dma source(%dma_start3A_28 : memref<632x128xf32, #tpu.memory_space<hbm>>) target(%dma_start3A_26 : memref<632x128xf32, #tpu.memory_space<vmem_shared>>) target_semaphore(%run_scoped3A_24 : memref<!tpu.dma_semaphore, #tpu.memory_space<semaphore_mem>>)
      %dma_wait3A_29 = arith.constant 0 : i32
      %dma_wait3A_30 = tpu.memref_slice %arg11[%mul3A_4, %dma_wait3A_29] : memref<10112x128xf32, #tpu.memory_space<vmem_shared>> -> memref<632x128xf32, #tpu.memory_space<vmem_shared>>
      %dma_wait3A_31 = arith.constant 0 : i32
      %dma_wait3A_32 = tpu.memref_slice %arg5[%mul3A_2, %dma_wait3A_31] : memref<10112x128xf32, #tpu.memory_space<hbm>> -> memref<632x128xf32, #tpu.memory_space<hbm>>
      tpu.wait_dma2 semaphore(%run_scoped3A_24 : memref<!tpu.dma_semaphore, #tpu.memory_space<semaphore_mem>>) src(%dma_wait3A_32 : memref<632x128xf32, #tpu.memory_space<hbm>>) dst(%dma_wait3A_30 : memref<632x128xf32, #tpu.memory_space<vmem_shared>>)
      tpu.yield
    }) : () -> ()
    %mul3A_5 = arith.constant 10000 : i32
    %mul3A_6 = arith.muli %add3A, %mul3A_5 : i32
    "tpu.region"() ({
      %run_scoped3A_24 = tpu.sem_alloc : memref<!tpu.dma_semaphore, #tpu.memory_space<semaphore_mem>>
      %dma_start3A_25 = tpu.memref_slice %arg3[%mul3A_6] : memref<320000xi32, #tpu.memory_space<hbm>> -> memref<10000xi32, #tpu.memory_space<hbm>>
      %dma_start3A_26 = tpu.memref_slice %arg3[%mul3A_6] : memref<320000xi32, #tpu.memory_space<hbm>> -> memref<10000xi32, #tpu.memory_space<hbm>>
      tpu.enqueue_dma source(%dma_start3A_26 : memref<10000xi32, #tpu.memory_space<hbm>>) target(%arg7 : memref<10000xi32, #tpu.memory_space<vmem>>) target_semaphore(%run_scoped3A_24 : memref<!tpu.dma_semaphore, #tpu.memory_space<semaphore_mem>>)
      %dma_wait3A_27 = tpu.memref_slice %arg3[%mul3A_6] : memref<320000xi32, #tpu.memory_space<hbm>> -> memref<10000xi32, #tpu.memory_space<hbm>>
      %dma_wait3A_28 = tpu.memref_slice %arg3[%mul3A_6] : memref<320000xi32, #tpu.memory_space<hbm>> -> memref<10000xi32, #tpu.memory_space<hbm>>
      tpu.wait_dma2 semaphore(%run_scoped3A_24 : memref<!tpu.dma_semaphore, #tpu.memory_space<semaphore_mem>>) src(%dma_wait3A_28 : memref<10000xi32, #tpu.memory_space<hbm>>) dst(%arg7 : memref<10000xi32, #tpu.memory_space<vmem>>)
      tpu.yield
    }) : () -> ()
    "tpu.region"() ({
      %run_scoped3A_24 = tpu.sem_alloc : memref<!tpu.dma_semaphore, #tpu.memory_space<semaphore_mem>>
      %dma_start3A_25 = arith.constant 0 : i32
      %dma_start3A_26 = arith.constant 0 : i32
      %dma_start3A_27 = tpu.memref_slice %arg4[%add3A, %dma_start3A_25, %dma_start3A_26] : memref<32x125x80xi32, #tpu.memory_space<hbm>> -> memref<1x125x80xi32, #tpu.memory_space<hbm>>
      %dma_start3A_28 = tpu.memref_squeeze %dma_start3A_27 : memref<1x125x80xi32, #tpu.memory_space<hbm>> -> memref<125x80xi32, #tpu.memory_space<hbm>>
      %dma_start3A_29 = arith.constant 0 : i32
      %dma_start3A_30 = arith.constant 0 : i32
      %dma_start3A_31 = tpu.memref_slice %arg4[%add3A, %dma_start3A_29, %dma_start3A_30] : memref<32x125x80xi32, #tpu.memory_space<hbm>> -> memref<1x125x80xi32, #tpu.memory_space<hbm>>
      %dma_start3A_32 = tpu.memref_squeeze %dma_start3A_31 : memref<1x125x80xi32, #tpu.memory_space<hbm>> -> memref<125x80xi32, #tpu.memory_space<hbm>>
      tpu.enqueue_dma source(%dma_start3A_32 : memref<125x80xi32, #tpu.memory_space<hbm>>) target(%arg8 : memref<125x80xi32, #tpu.memory_space<vmem>>) target_semaphore(%run_scoped3A_24 : memref<!tpu.dma_semaphore, #tpu.memory_space<semaphore_mem>>)
      %dma_wait3A_33 = arith.constant 0 : i32
      %dma_wait3A_34 = arith.constant 0 : i32
      %dma_wait3A_35 = tpu.memref_slice %arg4[%add3A, %dma_wait3A_33, %dma_wait3A_34] : memref<32x125x80xi32, #tpu.memory_space<hbm>> -> memref<1x125x80xi32, #tpu.memory_space<hbm>>
      %dma_wait3A_36 = tpu.memref_squeeze %dma_wait3A_35 : memref<1x125x80xi32, #tpu.memory_space<hbm>> -> memref<125x80xi32, #tpu.memory_space<hbm>>
      %dma_wait3A_37 = arith.constant 0 : i32
      %dma_wait3A_38 = arith.constant 0 : i32
      %dma_wait3A_39 = tpu.memref_slice %arg4[%add3A, %dma_wait3A_37, %dma_wait3A_38] : memref<32x125x80xi32, #tpu.memory_space<hbm>> -> memref<1x125x80xi32, #tpu.memory_space<hbm>>
      %dma_wait3A_40 = tpu.memref_squeeze %dma_wait3A_39 : memref<1x125x80xi32, #tpu.memory_space<hbm>> -> memref<125x80xi32, #tpu.memory_space<hbm>>
      tpu.wait_dma2 semaphore(%run_scoped3A_24 : memref<!tpu.dma_semaphore, #tpu.memory_space<semaphore_mem>>) src(%dma_wait3A_40 : memref<125x80xi32, #tpu.memory_space<hbm>>) dst(%arg8 : memref<125x80xi32, #tpu.memory_space<vmem>>)
      tpu.yield
    }) : () -> ()
    %barrier3A = arith.constant 0 : index
    tpu.barrier barrier_id(%barrier3A)
    %dma_start3A = arith.constant 0 : i32
    %dma_start3A_7 = tpu.memref_slice %arg7[%dma_start3A] : memref<10000xi32, #tpu.memory_space<vmem>> -> memref<80xi32, #tpu.memory_space<vmem>>
    %dma_start3A_8 = arith.constant 0 : i32
    %dma_start3A_9 = arith.constant 0 : i32
    %dma_start3A_10 = tpu.memref_slice %arg2[%dma_start3A_8, %dma_start3A_9] : memref<10000x128xf32, #tpu.memory_space<hbm>> -> memref<10000x128xf32, #tpu.memory_space<hbm>>
    tpu.enqueue_indirect_dma source(%dma_start3A_10 : memref<10000x128xf32, #tpu.memory_space<hbm>>) target(%arg9 : memref<80x128xf32, #tpu.memory_space<vmem>>) offsets(%dma_start3A_7 : memref<80xi32, #tpu.memory_space<vmem>>) semaphore(%arg12 : memref<!tpu.dma_semaphore, #tpu.memory_space<semaphore_mem>>)
    %scan3A = arith.constant 0 : i32
    %scan3A_11 = arith.constant 62 : i32
    %scan3A_12 = arith.addi %scan3A, %scan3A_11 : i32
    %scan3A_13 = arith.constant 1 : i32
    scf.for %scan3A_24 = %scan3A to %scan3A_12 step %scan3A_13  : i32 {
      %mul3A_25 = arith.constant 1 : i32
      %mul3A_26 = arith.muli %scan3A_24, %mul3A_25 : i32
      %add3A_27 = arith.constant 0 : i32
      %add3A_28 = arith.addi %add3A_27, %mul3A_26 : i32
      %mul3A_29 = arith.constant 2 : i32
      %mul3A_30 = arith.muli %mul3A_29, %add3A_28 : i32
      %mul3A_31 = arith.constant 2 : i32
      %mul3A_32 = arith.muli %mul3A_31, %add3A_28 : i32
      %add3A_33 = arith.constant 1 : i32
      %add3A_34 = arith.addi %mul3A_32, %add3A_33 : i32
      %mul3A_35 = arith.constant 80 : i32
      %mul3A_36 = arith.muli %add3A_34, %mul3A_35 : i32
      %dma_start3A_37 = tpu.memref_slice %arg7[%mul3A_36] : memref<10000xi32, #tpu.memory_space<vmem>> -> memref<80xi32, #tpu.memory_space<vmem>>
      %dma_start3A_38 = arith.constant 0 : i32
      %dma_start3A_39 = arith.constant 0 : i32
      %dma_start3A_40 = tpu.memref_slice %arg2[%dma_start3A_38, %dma_start3A_39] : memref<10000x128xf32, #tpu.memory_space<hbm>> -> memref<10000x128xf32, #tpu.memory_space<hbm>>
      tpu.enqueue_indirect_dma source(%dma_start3A_40 : memref<10000x128xf32, #tpu.memory_space<hbm>>) target(%arg10 : memref<80x128xf32, #tpu.memory_space<vmem>>) offsets(%dma_start3A_37 : memref<80xi32, #tpu.memory_space<vmem>>) semaphore(%arg13 : memref<!tpu.dma_semaphore, #tpu.memory_space<semaphore_mem>>)
      %dma_wait3A_41 = arith.constant 0 : i32
      %dma_wait3A_42 = tpu.memref_slice %arg7[%dma_wait3A_41] : memref<10000xi32, #tpu.memory_space<vmem>> -> memref<80xi32, #tpu.memory_space<vmem>>
      %dma_wait3A_43 = arith.constant 0 : i32
      %dma_wait3A_44 = arith.constant 0 : i32
      %dma_wait3A_45 = tpu.memref_slice %arg2[%dma_wait3A_43, %dma_wait3A_44] : memref<10000x128xf32, #tpu.memory_space<hbm>> -> memref<10000x128xf32, #tpu.memory_space<hbm>>
      tpu.wait_indirect_dma semaphore(%arg12 : memref<!tpu.dma_semaphore, #tpu.memory_space<semaphore_mem>>) src(%dma_wait3A_45 : memref<10000x128xf32, #tpu.memory_space<hbm>>) dst(%arg9 : memref<80x128xf32, #tpu.memory_space<vmem>>)
      "tpu.region"() ({
        %run_scoped3A_59 = tpu.sem_alloc : memref<!tpu.dma_semaphore, #tpu.memory_space<semaphore_mem>>
        %dma_start3A_60 = arith.constant 0 : i32
        %dma_start3A_61 = tpu.memref_slice %arg8[%mul3A_30, %dma_start3A_60] : memref<125x80xi32, #tpu.memory_space<vmem>> -> memref<1x80xi32, #tpu.memory_space<vmem>>
        %dma_start3A_62 = tpu.memref_squeeze %dma_start3A_61 : memref<1x80xi32, #tpu.memory_space<vmem>> -> memref<80xi32, #tpu.memory_space<vmem>>
        %dma_start3A_63 = arith.constant 0 : i32
        %dma_start3A_64 = arith.constant 0 : i32
        %dma_start3A_65 = tpu.memref_slice %arg11[%dma_start3A_63, %dma_start3A_64] : memref<10112x128xf32, #tpu.memory_space<vmem_shared>> -> memref<10112x128xf32, #tpu.memory_space<vmem_shared>>
        tpu.enqueue_indirect_dma source(%arg9 : memref<80x128xf32, #tpu.memory_space<vmem>>) target(%dma_start3A_65 : memref<10112x128xf32, #tpu.memory_space<vmem_shared>>) offsets(%dma_start3A_62 : memref<80xi32, #tpu.memory_space<vmem>>) semaphore(%run_scoped3A_59 : memref<!tpu.dma_semaphore, #tpu.memory_space<semaphore_mem>>) {add = true}
        %dma_wait3A_66 = arith.constant 0 : i32
        %dma_wait3A_67 = tpu.memref_slice %arg8[%mul3A_30, %dma_wait3A_66] : memref<125x80xi32, #tpu.memory_space<vmem>> -> memref<1x80xi32, #tpu.memory_space<vmem>>
        %dma_wait3A_68 = tpu.memref_squeeze %dma_wait3A_67 : memref<1x80xi32, #tpu.memory_space<vmem>> -> memref<80xi32, #tpu.memory_space<vmem>>
        %dma_wait3A_69 = arith.constant 0 : i32
        %dma_wait3A_70 = arith.constant 0 : i32
        %dma_wait3A_71 = tpu.memref_slice %arg11[%dma_wait3A_69, %dma_wait3A_70] : memref<10112x128xf32, #tpu.memory_space<vmem_shared>> -> memref<10112x128xf32, #tpu.memory_space<vmem_shared>>
        tpu.wait_indirect_dma semaphore(%run_scoped3A_59 : memref<!tpu.dma_semaphore, #tpu.memory_space<semaphore_mem>>) src(%arg9 : memref<80x128xf32, #tpu.memory_space<vmem>>) dst(%dma_wait3A_71 : memref<10112x128xf32, #tpu.memory_space<vmem_shared>>)
        tpu.yield
      }) : () -> ()
      %add3A_46 = arith.constant 2 : i32
      %add3A_47 = arith.addi %mul3A_30, %add3A_46 : i32
      %mul3A_48 = arith.constant 80 : i32
      %mul3A_49 = arith.muli %add3A_47, %mul3A_48 : i32
      %dma_start3A_50 = tpu.memref_slice %arg7[%mul3A_49] : memref<10000xi32, #tpu.memory_space<vmem>> -> memref<80xi32, #tpu.memory_space<vmem>>
      %dma_start3A_51 = arith.constant 0 : i32
      %dma_start3A_52 = arith.constant 0 : i32
      %dma_start3A_53 = tpu.memref_slice %arg2[%dma_start3A_51, %dma_start3A_52] : memref<10000x128xf32, #tpu.memory_space<hbm>> -> memref<10000x128xf32, #tpu.memory_space<hbm>>
      tpu.enqueue_indirect_dma source(%dma_start3A_53 : memref<10000x128xf32, #tpu.memory_space<hbm>>) target(%arg9 : memref<80x128xf32, #tpu.memory_space<vmem>>) offsets(%dma_start3A_50 : memref<80xi32, #tpu.memory_space<vmem>>) semaphore(%arg12 : memref<!tpu.dma_semaphore, #tpu.memory_space<semaphore_mem>>)
      %dma_wait3A_54 = arith.constant 0 : i32
      %dma_wait3A_55 = tpu.memref_slice %arg7[%dma_wait3A_54] : memref<10000xi32, #tpu.memory_space<vmem>> -> memref<80xi32, #tpu.memory_space<vmem>>
      %dma_wait3A_56 = arith.constant 0 : i32
      %dma_wait3A_57 = arith.constant 0 : i32
      %dma_wait3A_58 = tpu.memref_slice %arg2[%dma_wait3A_56, %dma_wait3A_57] : memref<10000x128xf32, #tpu.memory_space<hbm>> -> memref<10000x128xf32, #tpu.memory_space<hbm>>
      tpu.wait_indirect_dma semaphore(%arg13 : memref<!tpu.dma_semaphore, #tpu.memory_space<semaphore_mem>>) src(%dma_wait3A_58 : memref<10000x128xf32, #tpu.memory_space<hbm>>) dst(%arg10 : memref<80x128xf32, #tpu.memory_space<vmem>>)
      "tpu.region"() ({
        %run_scoped3A_59 = tpu.sem_alloc : memref<!tpu.dma_semaphore, #tpu.memory_space<semaphore_mem>>
        %dma_start3A_60 = arith.constant 0 : i32
        %dma_start3A_61 = tpu.memref_slice %arg8[%add3A_34, %dma_start3A_60] : memref<125x80xi32, #tpu.memory_space<vmem>> -> memref<1x80xi32, #tpu.memory_space<vmem>>
        %dma_start3A_62 = tpu.memref_squeeze %dma_start3A_61 : memref<1x80xi32, #tpu.memory_space<vmem>> -> memref<80xi32, #tpu.memory_space<vmem>>
        %dma_start3A_63 = arith.constant 0 : i32
        %dma_start3A_64 = arith.constant 0 : i32
        %dma_start3A_65 = tpu.memref_slice %arg11[%dma_start3A_63, %dma_start3A_64] : memref<10112x128xf32, #tpu.memory_space<vmem_shared>> -> memref<10112x128xf32, #tpu.memory_space<vmem_shared>>
        tpu.enqueue_indirect_dma source(%arg10 : memref<80x128xf32, #tpu.memory_space<vmem>>) target(%dma_start3A_65 : memref<10112x128xf32, #tpu.memory_space<vmem_shared>>) offsets(%dma_start3A_62 : memref<80xi32, #tpu.memory_space<vmem>>) semaphore(%run_scoped3A_59 : memref<!tpu.dma_semaphore, #tpu.memory_space<semaphore_mem>>) {add = true}
        %dma_wait3A_66 = arith.constant 0 : i32
        %dma_wait3A_67 = tpu.memref_slice %arg8[%add3A_34, %dma_wait3A_66] : memref<125x80xi32, #tpu.memory_space<vmem>> -> memref<1x80xi32, #tpu.memory_space<vmem>>
        %dma_wait3A_68 = tpu.memref_squeeze %dma_wait3A_67 : memref<1x80xi32, #tpu.memory_space<vmem>> -> memref<80xi32, #tpu.memory_space<vmem>>
        %dma_wait3A_69 = arith.constant 0 : i32
        %dma_wait3A_70 = arith.constant 0 : i32
        %dma_wait3A_71 = tpu.memref_slice %arg11[%dma_wait3A_69, %dma_wait3A_70] : memref<10112x128xf32, #tpu.memory_space<vmem_shared>> -> memref<10112x128xf32, #tpu.memory_space<vmem_shared>>
        tpu.wait_indirect_dma semaphore(%run_scoped3A_59 : memref<!tpu.dma_semaphore, #tpu.memory_space<semaphore_mem>>) src(%arg10 : memref<80x128xf32, #tpu.memory_space<vmem>>) dst(%dma_wait3A_71 : memref<10112x128xf32, #tpu.memory_space<vmem_shared>>)
        tpu.yield
      }) : () -> ()
    }
    %scan3A_14 = arith.constant 62 : i32
    %dma_wait3A = arith.constant 0 : i32
    %dma_wait3A_15 = tpu.memref_slice %arg7[%dma_wait3A] : memref<10000xi32, #tpu.memory_space<vmem>> -> memref<80xi32, #tpu.memory_space<vmem>>
    %dma_wait3A_16 = arith.constant 0 : i32
    %dma_wait3A_17 = arith.constant 0 : i32
    %dma_wait3A_18 = tpu.memref_slice %arg2[%dma_wait3A_16, %dma_wait3A_17] : memref<10000x128xf32, #tpu.memory_space<hbm>> -> memref<10000x128xf32, #tpu.memory_space<hbm>>
    tpu.wait_indirect_dma semaphore(%arg12 : memref<!tpu.dma_semaphore, #tpu.memory_space<semaphore_mem>>) src(%dma_wait3A_18 : memref<10000x128xf32, #tpu.memory_space<hbm>>) dst(%arg9 : memref<80x128xf32, #tpu.memory_space<vmem>>)
    %run_scoped3A = arith.constant 124 : i32
    "tpu.region"() ({
      %run_scoped3A_24 = tpu.sem_alloc : memref<!tpu.dma_semaphore, #tpu.memory_space<semaphore_mem>>
      %dma_start3A_25 = arith.constant 0 : i32
      %dma_start3A_26 = tpu.memref_slice %arg8[%run_scoped3A, %dma_start3A_25] : memref<125x80xi32, #tpu.memory_space<vmem>> -> memref<1x80xi32, #tpu.memory_space<vmem>>
      %dma_start3A_27 = tpu.memref_squeeze %dma_start3A_26 : memref<1x80xi32, #tpu.memory_space<vmem>> -> memref<80xi32, #tpu.memory_space<vmem>>
      %dma_start3A_28 = arith.constant 0 : i32
      %dma_start3A_29 = arith.constant 0 : i32
      %dma_start3A_30 = tpu.memref_slice %arg11[%dma_start3A_28, %dma_start3A_29] : memref<10112x128xf32, #tpu.memory_space<vmem_shared>> -> memref<10112x128xf32, #tpu.memory_space<vmem_shared>>
      tpu.enqueue_indirect_dma source(%arg9 : memref<80x128xf32, #tpu.memory_space<vmem>>) target(%dma_start3A_30 : memref<10112x128xf32, #tpu.memory_space<vmem_shared>>) offsets(%dma_start3A_27 : memref<80xi32, #tpu.memory_space<vmem>>) semaphore(%run_scoped3A_24 : memref<!tpu.dma_semaphore, #tpu.memory_space<semaphore_mem>>) {add = true}
      %dma_wait3A_31 = arith.constant 0 : i32
      %dma_wait3A_32 = tpu.memref_slice %arg8[%run_scoped3A, %dma_wait3A_31] : memref<125x80xi32, #tpu.memory_space<vmem>> -> memref<1x80xi32, #tpu.memory_space<vmem>>
      %dma_wait3A_33 = tpu.memref_squeeze %dma_wait3A_32 : memref<1x80xi32, #tpu.memory_space<vmem>> -> memref<80xi32, #tpu.memory_space<vmem>>
      %dma_wait3A_34 = arith.constant 0 : i32
      %dma_wait3A_35 = arith.constant 0 : i32
      %dma_wait3A_36 = tpu.memref_slice %arg11[%dma_wait3A_34, %dma_wait3A_35] : memref<10112x128xf32, #tpu.memory_space<vmem_shared>> -> memref<10112x128xf32, #tpu.memory_space<vmem_shared>>
      tpu.wait_indirect_dma semaphore(%run_scoped3A_24 : memref<!tpu.dma_semaphore, #tpu.memory_space<semaphore_mem>>) src(%arg9 : memref<80x128xf32, #tpu.memory_space<vmem>>) dst(%dma_wait3A_36 : memref<10112x128xf32, #tpu.memory_space<vmem_shared>>)
      tpu.yield
    }) : () -> ()
    %barrier3A_19 = arith.constant 0 : index
    tpu.barrier barrier_id(%barrier3A_19)
    %mul3A_20 = arith.constant 632 : i32
    %mul3A_21 = arith.muli %arg1, %mul3A_20 : i32
    %mul3A_22 = arith.constant 632 : i32
    %mul3A_23 = arith.muli %arg1, %mul3A_22 : i32
    "tpu.region"() ({
      %run_scoped3A_24 = tpu.sem_alloc : memref<!tpu.dma_semaphore, #tpu.memory_space<semaphore_mem>>
      %dma_start3A_25 = arith.constant 0 : i32
      %dma_start3A_26 = tpu.memref_slice %arg6[%arg0, %mul3A_23, %dma_start3A_25] : memref<2x10112x128xf32, #tpu.memory_space<hbm>> -> memref<1x632x128xf32, #tpu.memory_space<hbm>>
      %dma_start3A_27 = tpu.memref_squeeze %dma_start3A_26 : memref<1x632x128xf32, #tpu.memory_space<hbm>> -> memref<632x128xf32, #tpu.memory_space<hbm>>
      %dma_start3A_28 = arith.constant 0 : i32
      %dma_start3A_29 = tpu.memref_slice %arg11[%mul3A_21, %dma_start3A_28] : memref<10112x128xf32, #tpu.memory_space<vmem_shared>> -> memref<632x128xf32, #tpu.memory_space<vmem_shared>>
      tpu.enqueue_dma source(%dma_start3A_29 : memref<632x128xf32, #tpu.memory_space<vmem_shared>>) target(%dma_start3A_27 : memref<632x128xf32, #tpu.memory_space<hbm>>) target_semaphore(%run_scoped3A_24 : memref<!tpu.dma_semaphore, #tpu.memory_space<semaphore_mem>>)
      %dma_wait3A_30 = arith.constant 0 : i32
      %dma_wait3A_31 = tpu.memref_slice %arg6[%arg0, %mul3A_23, %dma_wait3A_30] : memref<2x10112x128xf32, #tpu.memory_space<hbm>> -> memref<1x632x128xf32, #tpu.memory_space<hbm>>
      %dma_wait3A_32 = tpu.memref_squeeze %dma_wait3A_31 : memref<1x632x128xf32, #tpu.memory_space<hbm>> -> memref<632x128xf32, #tpu.memory_space<hbm>>
      %dma_wait3A_33 = arith.constant 0 : i32
      %dma_wait3A_34 = tpu.memref_slice %arg11[%mul3A_21, %dma_wait3A_33] : memref<10112x128xf32, #tpu.memory_space<vmem_shared>> -> memref<632x128xf32, #tpu.memory_space<vmem_shared>>
      tpu.wait_dma2 semaphore(%run_scoped3A_24 : memref<!tpu.dma_semaphore, #tpu.memory_space<semaphore_mem>>) src(%dma_wait3A_34 : memref<632x128xf32, #tpu.memory_space<vmem_shared>>) dst(%dma_wait3A_32 : memref<632x128xf32, #tpu.memory_space<hbm>>)
      tpu.yield
    }) : () -> ()
    return
  }
}

#map = affine_map<(d0, d1) -> (0, 0)>
#map1 = affine_map<(d0, d1) -> (0)>
#map2 = affine_map<(d0, d1) -> (0, 0, 0)>
module attributes {stable_mosaic.version = 14 : i64} {
  func.func @agg_kernel(%arg0: i32, %arg1: i32, %arg2: memref<10000x128xf32, #tpu.memory_space<hbm>>, %arg3: memref<320000xi32, #tpu.memory_space<hbm>>, %arg4: memref<32x125x80xi32, #tpu.memory_space<hbm>>, %arg5: memref<10112x128xf32, #tpu.memory_space<hbm>>, %arg6: memref<2x10112x128xf32, #tpu.memory_space<hbm>>, %arg7: memref<10000xi32, #tpu.memory_space<vmem>>, %arg8: memref<125x80xi32, #tpu.memory_space<vmem>>, %arg9: memref<80x128xf32, #tpu.memory_space<vmem>>, %arg10: memref<80x128xf32, #tpu.memory_space<vmem>>, %arg11: memref<10112x128xf32, #tpu.memory_space<vmem_shared>>, %arg12: memref<!tpu.dma_semaphore, #tpu.memory_space<semaphore_mem>>, %arg13: memref<!tpu.dma_semaphore, #tpu.memory_space<semaphore_mem>>) attributes {dimension_semantics = [#tpu.dimension_semantics<core_parallel>, #tpu.dimension_semantics<subcore_parallel>], iteration_bounds = array<i64: 2, 16>, scalar_prefetch = 0 : i64, scratch_operands = 7 : i64, tpu.core_type = #tpu.core_type<sc_vector_subcore>, window_params = [{transform_indices = #map}, {transform_indices = #map1}, {transform_indices = #map2}, {transform_indices = #map}, {transform_indices = #map2}]} {
    %mul3A = arith.constant 2 : i32
    %mul3A_0 = arith.muli %arg1, %mul3A : i32
    %add3A = arith.addi %mul3A_0, %arg0 : i32
    %mul3A_1 = arith.constant 632 : i32
    %mul3A_2 = arith.muli %arg1, %mul3A_1 : i32
    %mul3A_3 = arith.constant 632 : i32
    %mul3A_4 = arith.muli %arg1, %mul3A_3 : i32
    "tpu.region"() ({
      %run_scoped3A_24 = tpu.sem_alloc : memref<!tpu.dma_semaphore, #tpu.memory_space<semaphore_mem>>
      %dma_start3A_25 = arith.constant 0 : i32
      %dma_start3A_26 = tpu.memref_slice %arg11[%mul3A_4, %dma_start3A_25] : memref<10112x128xf32, #tpu.memory_space<vmem_shared>> -> memref<632x128xf32, #tpu.memory_space<vmem_shared>>
      %dma_start3A_27 = arith.constant 0 : i32
      %dma_start3A_28 = tpu.memref_slice %arg5[%mul3A_2, %dma_start3A_27] : memref<10112x128xf32, #tpu.memory_space<hbm>> -> memref<632x128xf32, #tpu.memory_space<hbm>>
      tpu.enqueue_dma source(%dma_start3A_28 : memref<632x128xf32, #tpu.memory_space<hbm>>) target(%dma_start3A_26 : memref<632x128xf32, #tpu.memory_space<vmem_shared>>) target_semaphore(%run_scoped3A_24 : memref<!tpu.dma_semaphore, #tpu.memory_space<semaphore_mem>>)
      %dma_wait3A_29 = arith.constant 0 : i32
      %dma_wait3A_30 = tpu.memref_slice %arg11[%mul3A_4, %dma_wait3A_29] : memref<10112x128xf32, #tpu.memory_space<vmem_shared>> -> memref<632x128xf32, #tpu.memory_space<vmem_shared>>
      %dma_wait3A_31 = arith.constant 0 : i32
      %dma_wait3A_32 = tpu.memref_slice %arg5[%mul3A_2, %dma_wait3A_31] : memref<10112x128xf32, #tpu.memory_space<hbm>> -> memref<632x128xf32, #tpu.memory_space<hbm>>
      tpu.wait_dma2 semaphore(%run_scoped3A_24 : memref<!tpu.dma_semaphore, #tpu.memory_space<semaphore_mem>>) src(%dma_wait3A_32 : memref<632x128xf32, #tpu.memory_space<hbm>>) dst(%dma_wait3A_30 : memref<632x128xf32, #tpu.memory_space<vmem_shared>>)
      tpu.yield
    }) : () -> ()
    %mul3A_5 = arith.constant 10000 : i32
    %mul3A_6 = arith.muli %add3A, %mul3A_5 : i32
    "tpu.region"() ({
      %run_scoped3A_24 = tpu.sem_alloc : memref<!tpu.dma_semaphore, #tpu.memory_space<semaphore_mem>>
      %dma_start3A_25 = tpu.memref_slice %arg3[%mul3A_6] : memref<320000xi32, #tpu.memory_space<hbm>> -> memref<10000xi32, #tpu.memory_space<hbm>>
      %dma_start3A_26 = tpu.memref_slice %arg3[%mul3A_6] : memref<320000xi32, #tpu.memory_space<hbm>> -> memref<10000xi32, #tpu.memory_space<hbm>>
      tpu.enqueue_dma source(%dma_start3A_26 : memref<10000xi32, #tpu.memory_space<hbm>>) target(%arg7 : memref<10000xi32, #tpu.memory_space<vmem>>) target_semaphore(%run_scoped3A_24 : memref<!tpu.dma_semaphore, #tpu.memory_space<semaphore_mem>>)
      %dma_wait3A_27 = tpu.memref_slice %arg3[%mul3A_6] : memref<320000xi32, #tpu.memory_space<hbm>> -> memref<10000xi32, #tpu.memory_space<hbm>>
      %dma_wait3A_28 = tpu.memref_slice %arg3[%mul3A_6] : memref<320000xi32, #tpu.memory_space<hbm>> -> memref<10000xi32, #tpu.memory_space<hbm>>
      tpu.wait_dma2 semaphore(%run_scoped3A_24 : memref<!tpu.dma_semaphore, #tpu.memory_space<semaphore_mem>>) src(%dma_wait3A_28 : memref<10000xi32, #tpu.memory_space<hbm>>) dst(%arg7 : memref<10000xi32, #tpu.memory_space<vmem>>)
      tpu.yield
    }) : () -> ()
    "tpu.region"() ({
      %run_scoped3A_24 = tpu.sem_alloc : memref<!tpu.dma_semaphore, #tpu.memory_space<semaphore_mem>>
      %dma_start3A_25 = arith.constant 0 : i32
      %dma_start3A_26 = arith.constant 0 : i32
      %dma_start3A_27 = tpu.memref_slice %arg4[%add3A, %dma_start3A_25, %dma_start3A_26] : memref<32x125x80xi32, #tpu.memory_space<hbm>> -> memref<1x125x80xi32, #tpu.memory_space<hbm>>
      %dma_start3A_28 = tpu.memref_squeeze %dma_start3A_27 : memref<1x125x80xi32, #tpu.memory_space<hbm>> -> memref<125x80xi32, #tpu.memory_space<hbm>>
      %dma_start3A_29 = arith.constant 0 : i32
      %dma_start3A_30 = arith.constant 0 : i32
      %dma_start3A_31 = tpu.memref_slice %arg4[%add3A, %dma_start3A_29, %dma_start3A_30] : memref<32x125x80xi32, #tpu.memory_space<hbm>> -> memref<1x125x80xi32, #tpu.memory_space<hbm>>
      %dma_start3A_32 = tpu.memref_squeeze %dma_start3A_31 : memref<1x125x80xi32, #tpu.memory_space<hbm>> -> memref<125x80xi32, #tpu.memory_space<hbm>>
      tpu.enqueue_dma source(%dma_start3A_32 : memref<125x80xi32, #tpu.memory_space<hbm>>) target(%arg8 : memref<125x80xi32, #tpu.memory_space<vmem>>) target_semaphore(%run_scoped3A_24 : memref<!tpu.dma_semaphore, #tpu.memory_space<semaphore_mem>>)
      %dma_wait3A_33 = arith.constant 0 : i32
      %dma_wait3A_34 = arith.constant 0 : i32
      %dma_wait3A_35 = tpu.memref_slice %arg4[%add3A, %dma_wait3A_33, %dma_wait3A_34] : memref<32x125x80xi32, #tpu.memory_space<hbm>> -> memref<1x125x80xi32, #tpu.memory_space<hbm>>
      %dma_wait3A_36 = tpu.memref_squeeze %dma_wait3A_35 : memref<1x125x80xi32, #tpu.memory_space<hbm>> -> memref<125x80xi32, #tpu.memory_space<hbm>>
      %dma_wait3A_37 = arith.constant 0 : i32
      %dma_wait3A_38 = arith.constant 0 : i32
      %dma_wait3A_39 = tpu.memref_slice %arg4[%add3A, %dma_wait3A_37, %dma_wait3A_38] : memref<32x125x80xi32, #tpu.memory_space<hbm>> -> memref<1x125x80xi32, #tpu.memory_space<hbm>>
      %dma_wait3A_40 = tpu.memref_squeeze %dma_wait3A_39 : memref<1x125x80xi32, #tpu.memory_space<hbm>> -> memref<125x80xi32, #tpu.memory_space<hbm>>
      tpu.wait_dma2 semaphore(%run_scoped3A_24 : memref<!tpu.dma_semaphore, #tpu.memory_space<semaphore_mem>>) src(%dma_wait3A_40 : memref<125x80xi32, #tpu.memory_space<hbm>>) dst(%arg8 : memref<125x80xi32, #tpu.memory_space<vmem>>)
      tpu.yield
    }) : () -> ()
    %barrier3A = arith.constant 0 : index
    tpu.barrier barrier_id(%barrier3A)
    %dma_start3A = arith.constant 0 : i32
    %dma_start3A_7 = tpu.memref_slice %arg7[%dma_start3A] : memref<10000xi32, #tpu.memory_space<vmem>> -> memref<80xi32, #tpu.memory_space<vmem>>
    %dma_start3A_8 = arith.constant 0 : i32
    %dma_start3A_9 = arith.constant 0 : i32
    %dma_start3A_10 = tpu.memref_slice %arg2[%dma_start3A_8, %dma_start3A_9] : memref<10000x128xf32, #tpu.memory_space<hbm>> -> memref<10000x128xf32, #tpu.memory_space<hbm>>
    tpu.enqueue_indirect_dma source(%dma_start3A_10 : memref<10000x128xf32, #tpu.memory_space<hbm>>) target(%arg9 : memref<80x128xf32, #tpu.memory_space<vmem>>) offsets(%dma_start3A_7 : memref<80xi32, #tpu.memory_space<vmem>>) semaphore(%arg12 : memref<!tpu.dma_semaphore, #tpu.memory_space<semaphore_mem>>)
    %scan3A = arith.constant 0 : i32
    %scan3A_11 = arith.constant 62 : i32
    %scan3A_12 = arith.addi %scan3A, %scan3A_11 : i32
    %scan3A_13 = arith.constant 1 : i32
    scf.for %scan3A_24 = %scan3A to %scan3A_12 step %scan3A_13  : i32 {
      %mul3A_25 = arith.constant 1 : i32
      %mul3A_26 = arith.muli %scan3A_24, %mul3A_25 : i32
      %add3A_27 = arith.constant 0 : i32
      %add3A_28 = arith.addi %add3A_27, %mul3A_26 : i32
      %mul3A_29 = arith.constant 2 : i32
      %mul3A_30 = arith.muli %mul3A_29, %add3A_28 : i32
      %mul3A_31 = arith.constant 2 : i32
      %mul3A_32 = arith.muli %mul3A_31, %add3A_28 : i32
      %add3A_33 = arith.constant 1 : i32
      %add3A_34 = arith.addi %mul3A_32, %add3A_33 : i32
      %mul3A_35 = arith.constant 80 : i32
      %mul3A_36 = arith.muli %add3A_34, %mul3A_35 : i32
      %dma_start3A_37 = tpu.memref_slice %arg7[%mul3A_36] : memref<10000xi32, #tpu.memory_space<vmem>> -> memref<80xi32, #tpu.memory_space<vmem>>
      %dma_start3A_38 = arith.constant 0 : i32
      %dma_start3A_39 = arith.constant 0 : i32
      %dma_start3A_40 = tpu.memref_slice %arg2[%dma_start3A_38, %dma_start3A_39] : memref<10000x128xf32, #tpu.memory_space<hbm>> -> memref<10000x128xf32, #tpu.memory_space<hbm>>
      tpu.enqueue_indirect_dma source(%dma_start3A_40 : memref<10000x128xf32, #tpu.memory_space<hbm>>) target(%arg10 : memref<80x128xf32, #tpu.memory_space<vmem>>) offsets(%dma_start3A_37 : memref<80xi32, #tpu.memory_space<vmem>>) semaphore(%arg13 : memref<!tpu.dma_semaphore, #tpu.memory_space<semaphore_mem>>)
      %dma_wait3A_41 = arith.constant 0 : i32
      %dma_wait3A_42 = tpu.memref_slice %arg7[%dma_wait3A_41] : memref<10000xi32, #tpu.memory_space<vmem>> -> memref<80xi32, #tpu.memory_space<vmem>>
      %dma_wait3A_43 = arith.constant 0 : i32
      %dma_wait3A_44 = arith.constant 0 : i32
      %dma_wait3A_45 = tpu.memref_slice %arg2[%dma_wait3A_43, %dma_wait3A_44] : memref<10000x128xf32, #tpu.memory_space<hbm>> -> memref<10000x128xf32, #tpu.memory_space<hbm>>
      tpu.wait_indirect_dma semaphore(%arg12 : memref<!tpu.dma_semaphore, #tpu.memory_space<semaphore_mem>>) src(%dma_wait3A_45 : memref<10000x128xf32, #tpu.memory_space<hbm>>) dst(%arg9 : memref<80x128xf32, #tpu.memory_space<vmem>>)
      "tpu.region"() ({
        %run_scoped3A_59 = tpu.sem_alloc : memref<!tpu.dma_semaphore, #tpu.memory_space<semaphore_mem>>
        %dma_start3A_60 = arith.constant 0 : i32
        %dma_start3A_61 = tpu.memref_slice %arg8[%mul3A_30, %dma_start3A_60] : memref<125x80xi32, #tpu.memory_space<vmem>> -> memref<1x80xi32, #tpu.memory_space<vmem>>
        %dma_start3A_62 = tpu.memref_squeeze %dma_start3A_61 : memref<1x80xi32, #tpu.memory_space<vmem>> -> memref<80xi32, #tpu.memory_space<vmem>>
        %dma_start3A_63 = arith.constant 0 : i32
        %dma_start3A_64 = arith.constant 0 : i32
        %dma_start3A_65 = tpu.memref_slice %arg11[%dma_start3A_63, %dma_start3A_64] : memref<10112x128xf32, #tpu.memory_space<vmem_shared>> -> memref<10112x128xf32, #tpu.memory_space<vmem_shared>>
        tpu.enqueue_indirect_dma source(%arg9 : memref<80x128xf32, #tpu.memory_space<vmem>>) target(%dma_start3A_65 : memref<10112x128xf32, #tpu.memory_space<vmem_shared>>) offsets(%dma_start3A_62 : memref<80xi32, #tpu.memory_space<vmem>>) semaphore(%run_scoped3A_59 : memref<!tpu.dma_semaphore, #tpu.memory_space<semaphore_mem>>) {add = true}
        %dma_wait3A_66 = arith.constant 0 : i32
        %dma_wait3A_67 = tpu.memref_slice %arg8[%mul3A_30, %dma_wait3A_66] : memref<125x80xi32, #tpu.memory_space<vmem>> -> memref<1x80xi32, #tpu.memory_space<vmem>>
        %dma_wait3A_68 = tpu.memref_squeeze %dma_wait3A_67 : memref<1x80xi32, #tpu.memory_space<vmem>> -> memref<80xi32, #tpu.memory_space<vmem>>
        %dma_wait3A_69 = arith.constant 0 : i32
        %dma_wait3A_70 = arith.constant 0 : i32
        %dma_wait3A_71 = tpu.memref_slice %arg11[%dma_wait3A_69, %dma_wait3A_70] : memref<10112x128xf32, #tpu.memory_space<vmem_shared>> -> memref<10112x128xf32, #tpu.memory_space<vmem_shared>>
        tpu.wait_indirect_dma semaphore(%run_scoped3A_59 : memref<!tpu.dma_semaphore, #tpu.memory_space<semaphore_mem>>) src(%arg9 : memref<80x128xf32, #tpu.memory_space<vmem>>) dst(%dma_wait3A_71 : memref<10112x128xf32, #tpu.memory_space<vmem_shared>>)
        tpu.yield
      }) : () -> ()
      %add3A_46 = arith.constant 2 : i32
      %add3A_47 = arith.addi %mul3A_30, %add3A_46 : i32
      %mul3A_48 = arith.constant 80 : i32
      %mul3A_49 = arith.muli %add3A_47, %mul3A_48 : i32
      %dma_start3A_50 = tpu.memref_slice %arg7[%mul3A_49] : memref<10000xi32, #tpu.memory_space<vmem>> -> memref<80xi32, #tpu.memory_space<vmem>>
      %dma_start3A_51 = arith.constant 0 : i32
      %dma_start3A_52 = arith.constant 0 : i32
      %dma_start3A_53 = tpu.memref_slice %arg2[%dma_start3A_51, %dma_start3A_52] : memref<10000x128xf32, #tpu.memory_space<hbm>> -> memref<10000x128xf32, #tpu.memory_space<hbm>>
      tpu.enqueue_indirect_dma source(%dma_start3A_53 : memref<10000x128xf32, #tpu.memory_space<hbm>>) target(%arg9 : memref<80x128xf32, #tpu.memory_space<vmem>>) offsets(%dma_start3A_50 : memref<80xi32, #tpu.memory_space<vmem>>) semaphore(%arg12 : memref<!tpu.dma_semaphore, #tpu.memory_space<semaphore_mem>>)
      %dma_wait3A_54 = arith.constant 0 : i32
      %dma_wait3A_55 = tpu.memref_slice %arg7[%dma_wait3A_54] : memref<10000xi32, #tpu.memory_space<vmem>> -> memref<80xi32, #tpu.memory_space<vmem>>
      %dma_wait3A_56 = arith.constant 0 : i32
      %dma_wait3A_57 = arith.constant 0 : i32
      %dma_wait3A_58 = tpu.memref_slice %arg2[%dma_wait3A_56, %dma_wait3A_57] : memref<10000x128xf32, #tpu.memory_space<hbm>> -> memref<10000x128xf32, #tpu.memory_space<hbm>>
      tpu.wait_indirect_dma semaphore(%arg13 : memref<!tpu.dma_semaphore, #tpu.memory_space<semaphore_mem>>) src(%dma_wait3A_58 : memref<10000x128xf32, #tpu.memory_space<hbm>>) dst(%arg10 : memref<80x128xf32, #tpu.memory_space<vmem>>)
      "tpu.region"() ({
        %run_scoped3A_59 = tpu.sem_alloc : memref<!tpu.dma_semaphore, #tpu.memory_space<semaphore_mem>>
        %dma_start3A_60 = arith.constant 0 : i32
        %dma_start3A_61 = tpu.memref_slice %arg8[%add3A_34, %dma_start3A_60] : memref<125x80xi32, #tpu.memory_space<vmem>> -> memref<1x80xi32, #tpu.memory_space<vmem>>
        %dma_start3A_62 = tpu.memref_squeeze %dma_start3A_61 : memref<1x80xi32, #tpu.memory_space<vmem>> -> memref<80xi32, #tpu.memory_space<vmem>>
        %dma_start3A_63 = arith.constant 0 : i32
        %dma_start3A_64 = arith.constant 0 : i32
        %dma_start3A_65 = tpu.memref_slice %arg11[%dma_start3A_63, %dma_start3A_64] : memref<10112x128xf32, #tpu.memory_space<vmem_shared>> -> memref<10112x128xf32, #tpu.memory_space<vmem_shared>>
        tpu.enqueue_indirect_dma source(%arg10 : memref<80x128xf32, #tpu.memory_space<vmem>>) target(%dma_start3A_65 : memref<10112x128xf32, #tpu.memory_space<vmem_shared>>) offsets(%dma_start3A_62 : memref<80xi32, #tpu.memory_space<vmem>>) semaphore(%run_scoped3A_59 : memref<!tpu.dma_semaphore, #tpu.memory_space<semaphore_mem>>) {add = true}
        %dma_wait3A_66 = arith.constant 0 : i32
        %dma_wait3A_67 = tpu.memref_slice %arg8[%add3A_34, %dma_wait3A_66] : memref<125x80xi32, #tpu.memory_space<vmem>> -> memref<1x80xi32, #tpu.memory_space<vmem>>
        %dma_wait3A_68 = tpu.memref_squeeze %dma_wait3A_67 : memref<1x80xi32, #tpu.memory_space<vmem>> -> memref<80xi32, #tpu.memory_space<vmem>>
        %dma_wait3A_69 = arith.constant 0 : i32
        %dma_wait3A_70 = arith.constant 0 : i32
        %dma_wait3A_71 = tpu.memref_slice %arg11[%dma_wait3A_69, %dma_wait3A_70] : memref<10112x128xf32, #tpu.memory_space<vmem_shared>> -> memref<10112x128xf32, #tpu.memory_space<vmem_shared>>
        tpu.wait_indirect_dma semaphore(%run_scoped3A_59 : memref<!tpu.dma_semaphore, #tpu.memory_space<semaphore_mem>>) src(%arg10 : memref<80x128xf32, #tpu.memory_space<vmem>>) dst(%dma_wait3A_71 : memref<10112x128xf32, #tpu.memory_space<vmem_shared>>)
        tpu.yield
      }) : () -> ()
    }
    %scan3A_14 = arith.constant 62 : i32
    %dma_wait3A = arith.constant 0 : i32
    %dma_wait3A_15 = tpu.memref_slice %arg7[%dma_wait3A] : memref<10000xi32, #tpu.memory_space<vmem>> -> memref<80xi32, #tpu.memory_space<vmem>>
    %dma_wait3A_16 = arith.constant 0 : i32
    %dma_wait3A_17 = arith.constant 0 : i32
    %dma_wait3A_18 = tpu.memref_slice %arg2[%dma_wait3A_16, %dma_wait3A_17] : memref<10000x128xf32, #tpu.memory_space<hbm>> -> memref<10000x128xf32, #tpu.memory_space<hbm>>
    tpu.wait_indirect_dma semaphore(%arg12 : memref<!tpu.dma_semaphore, #tpu.memory_space<semaphore_mem>>) src(%dma_wait3A_18 : memref<10000x128xf32, #tpu.memory_space<hbm>>) dst(%arg9 : memref<80x128xf32, #tpu.memory_space<vmem>>)
    %run_scoped3A = arith.constant 124 : i32
    "tpu.region"() ({
      %run_scoped3A_24 = tpu.sem_alloc : memref<!tpu.dma_semaphore, #tpu.memory_space<semaphore_mem>>
      %dma_start3A_25 = arith.constant 0 : i32
      %dma_start3A_26 = tpu.memref_slice %arg8[%run_scoped3A, %dma_start3A_25] : memref<125x80xi32, #tpu.memory_space<vmem>> -> memref<1x80xi32, #tpu.memory_space<vmem>>
      %dma_start3A_27 = tpu.memref_squeeze %dma_start3A_26 : memref<1x80xi32, #tpu.memory_space<vmem>> -> memref<80xi32, #tpu.memory_space<vmem>>
      %dma_start3A_28 = arith.constant 0 : i32
      %dma_start3A_29 = arith.constant 0 : i32
      %dma_start3A_30 = tpu.memref_slice %arg11[%dma_start3A_28, %dma_start3A_29] : memref<10112x128xf32, #tpu.memory_space<vmem_shared>> -> memref<10112x128xf32, #tpu.memory_space<vmem_shared>>
      tpu.enqueue_indirect_dma source(%arg9 : memref<80x128xf32, #tpu.memory_space<vmem>>) target(%dma_start3A_30 : memref<10112x128xf32, #tpu.memory_space<vmem_shared>>) offsets(%dma_start3A_27 : memref<80xi32, #tpu.memory_space<vmem>>) semaphore(%run_scoped3A_24 : memref<!tpu.dma_semaphore, #tpu.memory_space<semaphore_mem>>) {add = true}
      %dma_wait3A_31 = arith.constant 0 : i32
      %dma_wait3A_32 = tpu.memref_slice %arg8[%run_scoped3A, %dma_wait3A_31] : memref<125x80xi32, #tpu.memory_space<vmem>> -> memref<1x80xi32, #tpu.memory_space<vmem>>
      %dma_wait3A_33 = tpu.memref_squeeze %dma_wait3A_32 : memref<1x80xi32, #tpu.memory_space<vmem>> -> memref<80xi32, #tpu.memory_space<vmem>>
      %dma_wait3A_34 = arith.constant 0 : i32
      %dma_wait3A_35 = arith.constant 0 : i32
      %dma_wait3A_36 = tpu.memref_slice %arg11[%dma_wait3A_34, %dma_wait3A_35] : memref<10112x128xf32, #tpu.memory_space<vmem_shared>> -> memref<10112x128xf32, #tpu.memory_space<vmem_shared>>
      tpu.wait_indirect_dma semaphore(%run_scoped3A_24 : memref<!tpu.dma_semaphore, #tpu.memory_space<semaphore_mem>>) src(%arg9 : memref<80x128xf32, #tpu.memory_space<vmem>>) dst(%dma_wait3A_36 : memref<10112x128xf32, #tpu.memory_space<vmem_shared>>)
      tpu.yield
    }) : () -> ()
    %barrier3A_19 = arith.constant 0 : index
    tpu.barrier barrier_id(%barrier3A_19)
    %mul3A_20 = arith.constant 632 : i32
    %mul3A_21 = arith.muli %arg1, %mul3A_20 : i32
    %mul3A_22 = arith.constant 632 : i32
    %mul3A_23 = arith.muli %arg1, %mul3A_22 : i32
    "tpu.region"() ({
      %run_scoped3A_24 = tpu.sem_alloc : memref<!tpu.dma_semaphore, #tpu.memory_space<semaphore_mem>>
      %dma_start3A_25 = arith.constant 0 : i32
      %dma_start3A_26 = tpu.memref_slice %arg6[%arg0, %mul3A_23, %dma_start3A_25] : memref<2x10112x128xf32, #tpu.memory_space<hbm>> -> memref<1x632x128xf32, #tpu.memory_space<hbm>>
      %dma_start3A_27 = tpu.memref_squeeze %dma_start3A_26 : memref<1x632x128xf32, #tpu.memory_space<hbm>> -> memref<632x128xf32, #tpu.memory_space<hbm>>
      %dma_start3A_28 = arith.constant 0 : i32
      %dma_start3A_29 = tpu.memref_slice %arg11[%mul3A_21, %dma_start3A_28] : memref<10112x128xf32, #tpu.memory_space<vmem_shared>> -> memref<632x128xf32, #tpu.memory_space<vmem_shared>>
      tpu.enqueue_dma source(%dma_start3A_29 : memref<632x128xf32, #tpu.memory_space<vmem_shared>>) target(%dma_start3A_27 : memref<632x128xf32, #tpu.memory_space<hbm>>) target_semaphore(%run_scoped3A_24 : memref<!tpu.dma_semaphore, #tpu.memory_space<semaphore_mem>>)
      %dma_wait3A_30 = arith.constant 0 : i32
      %dma_wait3A_31 = tpu.memref_slice %arg6[%arg0, %mul3A_23, %dma_wait3A_30] : memref<2x10112x128xf32, #tpu.memory_space<hbm>> -> memref<1x632x128xf32, #tpu.memory_space<hbm>>
      %dma_wait3A_32 = tpu.memref_squeeze %dma_wait3A_31 : memref<1x632x128xf32, #tpu.memory_space<hbm>> -> memref<632x128xf32, #tpu.memory_space<hbm>>
      %dma_wait3A_33 = arith.constant 0 : i32
      %dma_wait3A_34 = tpu.memref_slice %arg11[%mul3A_21, %dma_wait3A_33] : memref<10112x128xf32, #tpu.memory_space<vmem_shared>> -> memref<632x128xf32, #tpu.memory_space<vmem_shared>>
      tpu.wait_dma2 semaphore(%run_scoped3A_24 : memref<!tpu.dma_semaphore, #tpu.memory_space<semaphore_mem>>) src(%dma_wait3A_34 : memref<632x128xf32, #tpu.memory_space<vmem_shared>>) dst(%dma_wait3A_32 : memref<632x128xf32, #tpu.memory_space<hbm>>)
      tpu.yield
    }) : () -> ()
    return
  }
}

module attributes {stable_mosaic.version = 14 : i64} {
  func.func @body(%arg0: i32, %arg1: memref<1000x128xf32, #tpu.memory_space<vmem>>, %arg2: memref<2x1000x128xf32, #tpu.memory_space<vmem>>, %arg3: memref<1000x128xf32, #tpu.memory_space<vmem>>, %arg4: memref<1000x1xf32, #tpu.memory_space<vmem>>) attributes {dimension_semantics = [#tpu.dimension_semantics<arbitrary>], iteration_bounds = array<i64: 10>, scalar_prefetch = 0 : i64, scratch_operands = 0 : i64, tpu.core_type = #tpu.core_type<tc>, window_params = [{transform_indices = @transform_0, window_bounds = array<i64: 1000, 128>}, {transform_indices = @transform_1, window_bounds = array<i64: 2, 1000, 128>}, {transform_indices = @transform_2, window_bounds = array<i64: 1000, 128>}, {transform_indices = @transform_3, window_bounds = array<i64: 1000, 1>}]} {
    %get3A = arith.constant 0 : index
    %get3A_0 = arith.constant 0 : index
    %get3A_1 = arith.constant 0 : index
    %get3A_2 = vector.load %arg2[%get3A, %get3A_0, %get3A_1] : memref<2x1000x128xf32, #tpu.memory_space<vmem>>, vector<1x1000x1xf32>
    %get3A_3 = vector.shape_cast %get3A_2 : vector<1x1000x1xf32> to vector<1000x1xf32>
    %get3A_4 = arith.constant 1 : index
    %get3A_5 = arith.constant 0 : index
    %get3A_6 = arith.constant 0 : index
    %get3A_7 = vector.load %arg2[%get3A_4, %get3A_5, %get3A_6] : memref<2x1000x128xf32, #tpu.memory_space<vmem>>, vector<1x1000x1xf32>
    %get3A_8 = vector.shape_cast %get3A_7 : vector<1x1000x1xf32> to vector<1000x1xf32>
    %add3A = arith.addf %get3A_3, %get3A_8 : vector<1000x1xf32>
    %add3A_9 = arith.constant 1.000000e+00 : f32
    %add3A_10 = vector.broadcast %add3A_9 : f32 to vector<1000x1xf32>
    %add3A_11 = arith.addf %add3A, %add3A_10 : vector<1000x1xf32>
    %rsqrt3A = math.rsqrt %add3A_11 : vector<1000x1xf32>
    %swap3A = arith.constant 0 : index
    %swap3A_12 = arith.constant 0 : index
    %swap3A_13 = vector.load %arg4[%swap3A, %swap3A_12] : memref<1000x1xf32, #tpu.memory_space<vmem>>, vector<1000x1xf32>
    tpu.vector_store %arg4[%swap3A, %swap3A_12], %rsqrt3A {strides = array<i32>} : memref<1000x1xf32, #tpu.memory_space<vmem>>, vector<1000x1xf32>,
    %get3A_14 = arith.constant 0 : index
    %get3A_15 = arith.constant 0 : index
    %get3A_16 = vector.load %arg1[%get3A_14, %get3A_15] : memref<1000x128xf32, #tpu.memory_space<vmem>>, vector<1000x128xf32>
    %mul3A = vector.broadcast %rsqrt3A : vector<1000x1xf32> to vector<1000x128xf32>
    %mul3A_17 = arith.mulf %mul3A, %get3A_16 : vector<1000x128xf32>
    %swap3A_18 = arith.constant 0 : index
    %swap3A_19 = arith.constant 0 : index
    %swap3A_20 = vector.load %arg3[%swap3A_18, %swap3A_19] : memref<1000x128xf32, #tpu.memory_space<vmem>>, vector<1000x128xf32>
    tpu.vector_store %arg3[%swap3A_18, %swap3A_19], %mul3A_17 {strides = array<i32>} : memref<1000x128xf32, #tpu.memory_space<vmem>>, vector<1000x128xf32>,
    return
  }
  func.func @transform_0(%arg0: i32) -> (i32, i32) {
    %c0_i32 = arith.constant 0 : i32
    %c0_i32_0 = arith.constant 0 : i32
    return %arg0, %c0_i32 : i32, i32
  }
  func.func @transform_1(%arg0: i32) -> (i32, i32, i32) {
    %c0_i32 = arith.constant 0 : i32
    %c0_i32_0 = arith.constant 0 : i32
    %c0_i32_1 = arith.constant 0 : i32
    return %c0_i32, %arg0, %c0_i32_0 : i32, i32, i32
  }
  func.func @transform_2(%arg0: i32) -> (i32, i32) {
    %c0_i32 = arith.constant 0 : i32
    %c0_i32_0 = arith.constant 0 : i32
    return %arg0, %c0_i32 : i32, i32
  }
  func.func @transform_3(%arg0: i32) -> (i32, i32) {
    %c0_i32 = arith.constant 0 : i32
    %c0_i32_0 = arith.constant 0 : i32
    return %arg0, %c0_i32 : i32, i32
  }
}

module attributes {stable_mosaic.version = 14 : i64} {
  func.func @body(%arg0: i32, %arg1: memref<1000x128xf32, #tpu.memory_space<vmem>>, %arg2: memref<128x128xf32, #tpu.memory_space<vmem>>, %arg3: memref<1000x128xf32, #tpu.memory_space<vmem>>) attributes {dimension_semantics = [#tpu.dimension_semantics<arbitrary>], iteration_bounds = array<i64: 10>, scalar_prefetch = 0 : i64, scratch_operands = 0 : i64, tpu.core_type = #tpu.core_type<tc>, window_params = [{transform_indices = @transform_0, window_bounds = array<i64: 1000, 128>}, {pipeline_mode = #tpu.pipeline_mode<synchronous>, transform_indices = @transform_1, window_bounds = array<i64: 128, 128>}, {transform_indices = @transform_2, window_bounds = array<i64: 1000, 128>}]} {
    %get3A = arith.constant 0 : index
    %get3A_0 = arith.constant 0 : index
    %get3A_1 = vector.load %arg1[%get3A, %get3A_0] : memref<1000x128xf32, #tpu.memory_space<vmem>>, vector<1000x128xf32>
    %get3A_2 = arith.constant 0 : index
    %get3A_3 = arith.constant 0 : index
    %get3A_4 = vector.load %arg2[%get3A_2, %get3A_3] : memref<128x128xf32, #tpu.memory_space<vmem>>, vector<128x128xf32>
    %dot_general3A = arith.constant dense<0.000000e+00> : vector<1000x128xf32>
    %dot_general3A_5 = tpu.matmul %get3A_1, %get3A_4, %dot_general3A {dimension_numbers = #tpu.dot_dimension_numbers<[1], [0], [0], [1], [0, 0, 1, 1], [], []>, precision = #tpu.contract_precision<fp32>, transpose_lhs_hint = false} : vector<1000x128xf32>, vector<128x128xf32>, vector<1000x128xf32> -> vector<1000x128xf32>
    %swap3A = arith.constant 0 : index
    %swap3A_6 = arith.constant 0 : index
    %swap3A_7 = vector.load %arg3[%swap3A, %swap3A_6] : memref<1000x128xf32, #tpu.memory_space<vmem>>, vector<1000x128xf32>
    tpu.vector_store %arg3[%swap3A, %swap3A_6], %dot_general3A_5 {strides = array<i32>} : memref<1000x128xf32, #tpu.memory_space<vmem>>, vector<1000x128xf32>,
    return
  }
  func.func @transform_0(%arg0: i32) -> (i32, i32) {
    %c0_i32 = arith.constant 0 : i32
    %c0_i32_0 = arith.constant 0 : i32
    return %arg0, %c0_i32 : i32, i32
  }
  func.func @transform_1(%arg0: i32) -> (i32, i32) {
    %c0_i32 = arith.constant 0 : i32
    %c0_i32_0 = arith.constant 0 : i32
    %c0_i32_1 = arith.constant 0 : i32
    return %c0_i32, %c0_i32_0 : i32, i32
  }
  func.func @transform_2(%arg0: i32) -> (i32, i32) {
    %c0_i32 = arith.constant 0 : i32
    %c0_i32_0 = arith.constant 0 : i32
    return %arg0, %c0_i32 : i32, i32
  }
}

module attributes {stable_mosaic.version = 14 : i64} {
  func.func @body(%arg0: i32, %arg1: memref<2x1000x128xf32, #tpu.memory_space<vmem>>, %arg2: memref<1000x128xf32, #tpu.memory_space<vmem>>, %arg3: memref<1000x1xf32, #tpu.memory_space<vmem>>, %arg4: memref<1x128xf32, #tpu.memory_space<vmem>>, %arg5: memref<128x128xf32, #tpu.memory_space<vmem>>, %arg6: memref<1000x128xf32, #tpu.memory_space<vmem>>) attributes {dimension_semantics = [#tpu.dimension_semantics<arbitrary>], iteration_bounds = array<i64: 10>, scalar_prefetch = 0 : i64, scratch_operands = 0 : i64, tpu.core_type = #tpu.core_type<tc>, window_params = [{transform_indices = @transform_0, window_bounds = array<i64: 2, 1000, 128>}, {transform_indices = @transform_1, window_bounds = array<i64: 1000, 128>}, {transform_indices = @transform_2, window_bounds = array<i64: 1000, 1>}, {pipeline_mode = #tpu.pipeline_mode<synchronous>, transform_indices = @transform_3, window_bounds = array<i64: 1, 128>}, {pipeline_mode = #tpu.pipeline_mode<synchronous>, transform_indices = @transform_4, window_bounds = array<i64: 128, 128>}, {transform_indices = @transform_5, window_bounds = array<i64: 1000, 128>}]} {
    %get3A = arith.constant 0 : index
    %get3A_0 = arith.constant 0 : index
    %get3A_1 = vector.load %arg3[%get3A, %get3A_0] : memref<1000x1xf32, #tpu.memory_space<vmem>>, vector<1000x1xf32>
    %get3A_2 = arith.constant 0 : index
    %get3A_3 = arith.constant 0 : index
    %get3A_4 = arith.constant 0 : index
    %get3A_5 = vector.load %arg1[%get3A_2, %get3A_3, %get3A_4] : memref<2x1000x128xf32, #tpu.memory_space<vmem>>, vector<1x1000x128xf32>
    %get3A_6 = vector.shape_cast %get3A_5 : vector<1x1000x128xf32> to vector<1000x128xf32>
    %get3A_7 = arith.constant 1 : index
    %get3A_8 = arith.constant 0 : index
    %get3A_9 = arith.constant 0 : index
    %get3A_10 = vector.load %arg1[%get3A_7, %get3A_8, %get3A_9] : memref<2x1000x128xf32, #tpu.memory_space<vmem>>, vector<1x1000x128xf32>
    %get3A_11 = vector.shape_cast %get3A_10 : vector<1x1000x128xf32> to vector<1000x128xf32>
    %add3A = arith.addf %get3A_6, %get3A_11 : vector<1000x128xf32>
    %get3A_12 = arith.constant 0 : index
    %get3A_13 = arith.constant 0 : index
    %get3A_14 = vector.load %arg2[%get3A_12, %get3A_13] : memref<1000x128xf32, #tpu.memory_space<vmem>>, vector<1000x128xf32>
    %add3A_15 = arith.addf %add3A, %get3A_14 : vector<1000x128xf32>
    %mul3A = vector.broadcast %get3A_1 : vector<1000x1xf32> to vector<1000x128xf32>
    %mul3A_16 = arith.mulf %mul3A, %add3A_15 : vector<1000x128xf32>
    %get3A_17 = arith.constant 0 : index
    %get3A_18 = arith.constant 0 : index
    %get3A_19 = vector.load %arg4[%get3A_17, %get3A_18] : memref<1x128xf32, #tpu.memory_space<vmem>>, vector<1x128xf32>
    %add3A_20 = vector.broadcast %get3A_19 : vector<1x128xf32> to vector<1000x128xf32>
    %add3A_21 = arith.addf %mul3A_16, %add3A_20 : vector<1000x128xf32>
    %max3A = arith.constant 0.000000e+00 : f32
    %max3A_22 = vector.broadcast %max3A : f32 to vector<1000x128xf32>
    %max3A_23 = arith.maximumf %add3A_21, %max3A_22 : vector<1000x128xf32>
    %get3A_24 = arith.constant 0 : index
    %get3A_25 = arith.constant 0 : index
    %get3A_26 = vector.load %arg5[%get3A_24, %get3A_25] : memref<128x128xf32, #tpu.memory_space<vmem>>, vector<128x128xf32>
    %dot_general3A = arith.constant dense<0.000000e+00> : vector<1000x128xf32>
    %dot_general3A_27 = tpu.matmul %max3A_23, %get3A_26, %dot_general3A {dimension_numbers = #tpu.dot_dimension_numbers<[1], [0], [0], [1], [0, 0, 1, 1], [], []>, precision = #tpu.contract_precision<fp32>, transpose_lhs_hint = false} : vector<1000x128xf32>, vector<128x128xf32>, vector<1000x128xf32> -> vector<1000x128xf32>
    %mul3A_28 = vector.broadcast %get3A_1 : vector<1000x1xf32> to vector<1000x128xf32>
    %mul3A_29 = arith.mulf %mul3A_28, %dot_general3A_27 : vector<1000x128xf32>
    %swap3A = arith.constant 0 : index
    %swap3A_30 = arith.constant 0 : index
    %swap3A_31 = vector.load %arg6[%swap3A, %swap3A_30] : memref<1000x128xf32, #tpu.memory_space<vmem>>, vector<1000x128xf32>
    tpu.vector_store %arg6[%swap3A, %swap3A_30], %mul3A_29 {strides = array<i32>} : memref<1000x128xf32, #tpu.memory_space<vmem>>, vector<1000x128xf32>,
    return
  }
  func.func @transform_0(%arg0: i32) -> (i32, i32, i32) {
    %c0_i32 = arith.constant 0 : i32
    %c0_i32_0 = arith.constant 0 : i32
    %c0_i32_1 = arith.constant 0 : i32
    return %c0_i32, %arg0, %c0_i32_0 : i32, i32, i32
  }
  func.func @transform_1(%arg0: i32) -> (i32, i32) {
    %c0_i32 = arith.constant 0 : i32
    %c0_i32_0 = arith.constant 0 : i32
    return %arg0, %c0_i32 : i32, i32
  }
  func.func @transform_2(%arg0: i32) -> (i32, i32) {
    %c0_i32 = arith.constant 0 : i32
    %c0_i32_0 = arith.constant 0 : i32
    return %arg0, %c0_i32 : i32, i32
  }
  func.func @transform_3(%arg0: i32) -> (i32, i32) {
    %c0_i32 = arith.constant 0 : i32
    %c0_i32_0 = arith.constant 0 : i32
    %c0_i32_1 = arith.constant 0 : i32
    return %c0_i32, %c0_i32_0 : i32, i32
  }
  func.func @transform_4(%arg0: i32) -> (i32, i32) {
    %c0_i32 = arith.constant 0 : i32
    %c0_i32_0 = arith.constant 0 : i32
    %c0_i32_1 = arith.constant 0 : i32
    return %c0_i32, %c0_i32_0 : i32, i32
  }
  func.func @transform_5(%arg0: i32) -> (i32, i32) {
    %c0_i32 = arith.constant 0 : i32
    %c0_i32_0 = arith.constant 0 : i32
    return %arg0, %c0_i32 : i32, i32
  }
}

module attributes {stable_mosaic.version = 14 : i64} {
  func.func @body(%arg0: i32, %arg1: memref<2x1000x128xf32, #tpu.memory_space<vmem>>, %arg2: memref<1000x128xf32, #tpu.memory_space<vmem>>, %arg3: memref<1000x1xf32, #tpu.memory_space<vmem>>, %arg4: memref<1x128xf32, #tpu.memory_space<vmem>>, %arg5: memref<1000x64xf32, #tpu.memory_space<vmem>>, %arg6: memref<1000x64xf32, #tpu.memory_space<vmem>>) attributes {dimension_semantics = [#tpu.dimension_semantics<arbitrary>], iteration_bounds = array<i64: 10>, scalar_prefetch = 0 : i64, scratch_operands = 0 : i64, tpu.core_type = #tpu.core_type<tc>, window_params = [{transform_indices = @transform_0, window_bounds = array<i64: 2, 1000, 128>}, {transform_indices = @transform_1, window_bounds = array<i64: 1000, 128>}, {transform_indices = @transform_2, window_bounds = array<i64: 1000, 1>}, {pipeline_mode = #tpu.pipeline_mode<synchronous>, transform_indices = @transform_3, window_bounds = array<i64: 1, 128>}, {transform_indices = @transform_4, window_bounds = array<i64: 1000, 64>}, {transform_indices = @transform_5, window_bounds = array<i64: 1000, 64>}]} {
    %get3A = arith.constant 0 : index
    %get3A_0 = arith.constant 0 : index
    %get3A_1 = vector.load %arg3[%get3A, %get3A_0] : memref<1000x1xf32, #tpu.memory_space<vmem>>, vector<1000x1xf32>
    %get3A_2 = arith.constant 0 : index
    %get3A_3 = arith.constant 0 : index
    %get3A_4 = arith.constant 0 : index
    %get3A_5 = vector.load %arg1[%get3A_2, %get3A_3, %get3A_4] : memref<2x1000x128xf32, #tpu.memory_space<vmem>>, vector<1x1000x128xf32>
    %get3A_6 = vector.shape_cast %get3A_5 : vector<1x1000x128xf32> to vector<1000x128xf32>
    %get3A_7 = arith.constant 1 : index
    %get3A_8 = arith.constant 0 : index
    %get3A_9 = arith.constant 0 : index
    %get3A_10 = vector.load %arg1[%get3A_7, %get3A_8, %get3A_9] : memref<2x1000x128xf32, #tpu.memory_space<vmem>>, vector<1x1000x128xf32>
    %get3A_11 = vector.shape_cast %get3A_10 : vector<1x1000x128xf32> to vector<1000x128xf32>
    %add3A = arith.addf %get3A_6, %get3A_11 : vector<1000x128xf32>
    %get3A_12 = arith.constant 0 : index
    %get3A_13 = arith.constant 0 : index
    %get3A_14 = vector.load %arg2[%get3A_12, %get3A_13] : memref<1000x128xf32, #tpu.memory_space<vmem>>, vector<1000x128xf32>
    %add3A_15 = arith.addf %add3A, %get3A_14 : vector<1000x128xf32>
    %mul3A = vector.broadcast %get3A_1 : vector<1000x1xf32> to vector<1000x128xf32>
    %mul3A_16 = arith.mulf %mul3A, %add3A_15 : vector<1000x128xf32>
    %get3A_17 = arith.constant 0 : index
    %get3A_18 = arith.constant 0 : index
    %get3A_19 = vector.load %arg4[%get3A_17, %get3A_18] : memref<1x128xf32, #tpu.memory_space<vmem>>, vector<1x128xf32>
    %add3A_20 = vector.broadcast %get3A_19 : vector<1x128xf32> to vector<1000x128xf32>
    %add3A_21 = arith.addf %mul3A_16, %add3A_20 : vector<1000x128xf32>
    %slice3A = vector.extract_strided_slice %add3A_21 {offsets = [0, 0], sizes = [1000, 64], strides = [1, 1]} : vector<1000x128xf32> to vector<1000x64xf32>
    %swap3A = arith.constant 0 : index
    %swap3A_22 = arith.constant 0 : index
    %swap3A_23 = vector.load %arg5[%swap3A, %swap3A_22] : memref<1000x64xf32, #tpu.memory_space<vmem>>, vector<1000x64xf32>
    tpu.vector_store %arg5[%swap3A, %swap3A_22], %slice3A {strides = array<i32>} : memref<1000x64xf32, #tpu.memory_space<vmem>>, vector<1000x64xf32>,
    %slice3A_24 = vector.extract_strided_slice %add3A_21 {offsets = [0, 64], sizes = [1000, 64], strides = [1, 1]} : vector<1000x128xf32> to vector<1000x64xf32>
    %swap3A_25 = arith.constant 0 : index
    %swap3A_26 = arith.constant 0 : index
    %swap3A_27 = vector.load %arg6[%swap3A_25, %swap3A_26] : memref<1000x64xf32, #tpu.memory_space<vmem>>, vector<1000x64xf32>
    tpu.vector_store %arg6[%swap3A_25, %swap3A_26], %slice3A_24 {strides = array<i32>} : memref<1000x64xf32, #tpu.memory_space<vmem>>, vector<1000x64xf32>,
    return
  }
  func.func @transform_0(%arg0: i32) -> (i32, i32, i32) {
    %c0_i32 = arith.constant 0 : i32
    %c0_i32_0 = arith.constant 0 : i32
    %c0_i32_1 = arith.constant 0 : i32
    return %c0_i32, %arg0, %c0_i32_0 : i32, i32, i32
  }
  func.func @transform_1(%arg0: i32) -> (i32, i32) {
    %c0_i32 = arith.constant 0 : i32
    %c0_i32_0 = arith.constant 0 : i32
    return %arg0, %c0_i32 : i32, i32
  }
  func.func @transform_2(%arg0: i32) -> (i32, i32) {
    %c0_i32 = arith.constant 0 : i32
    %c0_i32_0 = arith.constant 0 : i32
    return %arg0, %c0_i32 : i32, i32
  }
  func.func @transform_3(%arg0: i32) -> (i32, i32) {
    %c0_i32 = arith.constant 0 : i32
    %c0_i32_0 = arith.constant 0 : i32
    %c0_i32_1 = arith.constant 0 : i32
    return %c0_i32, %c0_i32_0 : i32, i32
  }
  func.func @transform_4(%arg0: i32) -> (i32, i32) {
    %c0_i32 = arith.constant 0 : i32
    %c0_i32_0 = arith.constant 0 : i32
    return %arg0, %c0_i32 : i32, i32
  }
  func.func @transform_5(%arg0: i32) -> (i32, i32) {
    %c0_i32 = arith.constant 0 : i32
    %c0_i32_0 = arith.constant 0 : i32
    return %arg0, %c0_i32 : i32, i32
  }
}

</mosaic_0001>

<sc_bundles>
// kernel: kernel.11.cloned.1.call-start
scs
__scs_entry_jumppad:
0x0: {  	(pc) =	sbr.rel $0x88, $3  }
0x1: {  	(tag) =	ssettag $0x0;
	lr =	simm.s32 $0x1  }
0x2: {  	[smem:$0x3F97] =	sst lr;
	_ =	strace $0xD0000000  }
0x3: {  	_ = 	snop  }
0x4: {  	_ = 	snop  }
0x5: {  	_ = 	snop  }
0x6: {  	_ = 	snop  }
0x7: {  	_ = 	snop  }
__scs_overlays_trampoline_lowered:
0x8: {  	[smem:$0x3FA6] =	sst s0  }
0x9: {  	[smem:$0x3FA7] =	sst s1  }
0xa: {  	[smem:$0x3FA8] =	sst s2  }
0xb: {  	[smem:$0x3FA9] =	sst s3  }
0xc: {  	[smem:$0x3FAA] =	sst s4  }
0xd: {  	[smem:$0x3FAB] =	sst s5  }
0xe: {  	[smem:$0x3FAC] =	sst s6  }
0xf: {  	[smem:$0x3FAD] =	sst s7  }
0x10: {  	[smem:$0x3FAE] =	sst s8  }
0x11: {  	[smem:$0x3FAF] =	sst s9;
	s0 =	simm.s32 @!p0 $0x0  }
0x12: {  	s1 =	sld [smem:$0x3F95];
	s0 =	simm.s32 @p0 $0x1  }
0x13: {  	[smem:$0x3FB0] =	sst s0;
	s0 =	simm.s32 @!p1 $0x0  }
0x14: {  	s2 =	sld [smem:$0x3F94];
	s0 =	simm.s32 @p1 $0x1  }
0x15: {  	[smem:$0x3FB1] =	sst s0;
	s0 =	simm.s32 @!p2 $0x0  }
0x16: {  	s3 =	sld [smem:$0x3FDB];
	s0 =	simm.s32 @p2 $0x1  }
0x17: {  	s4 =	simm.s32 $0x1BF5;
	[smem:$0x3FB3] =	sst s0  }
0x18: {  	s0 =	sld [smem:$0x3F96];
	_ =	swait.ge [sflag:s4], $0x0  }
0x19: {  	s7 =	sld [smem:$0x3F97]  }
0x1a: {  	s8 =	sadd.s32 $0xFFFFE003, lr  }
0x1b: {  	s9 =	sadd.s32 $0xFFFFFEF7, lr;
	s5 =	simm.s32 $0xFFFFFFFF;
	p2 =	slt.u32 s8, $0xFFFFF086  }
0x1c: {  	p1 =	slt.u32 s9, $0xF7A;
	s5 =	simm.s32 @!p2 $0x0  }
0x1d: {  	s5 =	simm.s32 @p1 $0x1;
	p0 =	seq.s32 s7, s2  }
0x1e: {  	s7 =	smul.u32 @!p0 $0xF7A, s2;
	p2 =	seq.s32 @!p0 s5, $0x0  }
0x1f: {  	s9 =	smul.u32 $0xF7A, s1;
	s8 =	simm.s32 @!p0 $0x1BF5;
	p2 =	por !p2, p0  }
0x20: {  	[sflag:s8] =	ssyncset.s32 @!p0 $0xFFFFF086;
	s6 =	sadd.s32 @!p0 s3, s7;
	s7 =	simm.s32 @!p0 $0x108  }
0x21: {  	s3 =	sadd.s32 s3, s9;
	s6 =	sadd.s32 @!p0 $0x88, s6;
	s7 =	simm.s32 @p2 $0x1082  }
0x22: {  	[simem:s7], [sflag:s8] =	dma.local @!p0 [hbm:s6], $0xF7A  }
0x23: {  	s9 =	sor.u32 $0xD0000000, s2;
	s6 =	simm.s32 $0x108;
	_ =	swait.ge @!p0 [sflag:s8], $0x0  }
0x24: {  	s3 =	sadd.s32 $0x88, s3;
	s6 =	simm.s32 @!p1 $0x1082;
	[sflag:s4] =	ssyncset.s32 $0xFFFFF086  }
0x25: {  	[simem:s6], [sflag:s4] =	dma.local [hbm:s3], $0xF7A  }
0x26: {  	[smem:$0x3F97] =	sst s1;
	(tag) =	ssettag s2;
	_ =	strace s9  }
0x27: {  	s1 =	sld [smem:$0x3FA7]  }
0x28: {  	s2 =	sld [smem:$0x3FA8]  }
0x29: {  	s4 =	sld [smem:$0x3FAA]  }
0x2a: {  	p0 =	seq.s32 s5, $0x0;
	s5 =	sld [smem:$0x3FAB]  }
0x2b: {  	s6 =	sld [smem:$0x3FAC]  }
0x2c: {  	s7 =	sld [smem:$0x3FAD]  }
0x2d: {  	s3 =	simm.s32 $0x108;
	s8 =	sld [smem:$0x3FAE]  }
0x2e: {  	s3 =	simm.s32 @!p0 $0x1082;
	s9 =	sld [smem:$0x3FAF]  }
0x2f: {  	lr =	sadd.s32 s0, s3;
	s0 =	sld [smem:$0x3FA6]  }
0x30: {  	s3 =	sld [smem:$0x3FA9]  }
0x31: {  	[smem:$0x3FB2] =	sst s10  }
0x32: {  	s10 =	sld [smem:$0x3FB0];
	_ =	sdelay $0x3  }
0x33: {  	p0 =	seq.s32 s10, $0x1;
	s10 =	sld [smem:$0x3FB2];
	_ =	sdelay $0x3  }
0x34: {  	[smem:$0x3FB2] =	sst s10  }
0x35: {  	s10 =	sld [smem:$0x3FB1];
	_ =	sdelay $0x3  }
0x36: {  	p1 =	seq.s32 s10, $0x1;
	s10 =	sld [smem:$0x3FB2];
	_ =	sdelay $0x3  }
0x37: {  	[smem:$0x3FB2] =	sst s10  }
0x38: {  	s10 =	sld [smem:$0x3FB3]  }
0x39: {  	_ = 	snop;
	(pc) =	sbr.ind lr, $3  }
0x3a: {  	_ = 	snop  }
0x3b: {  	_ = 	snop  }
0x3c: {  	p2 =	seq.s32 s10, $0x1;
	s10 =	sld [smem:$0x3FB2]  }
0x3d: {  	_ =	shalt  }
0x3e: {  	_ =	shalt  }
0x3f: {  	_ =	shalt  }
0x40: {  	_ =	shalt  }
0x41: {  	_ =	shalt  }
0x42: {  	_ =	shalt  }
0x43: {  	_ =	shalt  }
0x44: {  	_ =	shalt  }
0x45: {  	_ =	shalt  }
0x46: {  	_ =	shalt  }
0x47: {  	_ =	shalt  }
0x48: {  	_ =	shalt  }
0x49: {  	_ =	shalt  }
0x4a: {  	_ =	shalt  }
0x4b: {  	_ =	shalt  }
0x4c: {  	_ =	shalt  }
0x4d: {  	_ =	shalt  }
0x4e: {  	_ =	shalt  }
0x4f: {  	_ =	shalt  }
0x50: {  	_ =	shalt  }
0x51: {  	_ =	shalt  }
0x52: {  	_ =	shalt  }
0x53: {  	_ =	shalt  }
0x54: {  	_ =	shalt  }
0x55: {  	_ =	shalt  }
0x56: {  	_ =	shalt  }
0x57: {  	_ =	shalt  }
0x58: {  	_ =	shalt  }
0x59: {  	_ =	shalt  }
0x5a: {  	_ =	shalt  }
0x5b: {  	_ =	shalt  }
0x5c: {  	_ =	shalt  }
0x5d: {  	_ =	shalt  }
0x5e: {  	_ =	shalt  }
0x5f: {  	_ =	shalt  }
0x60: {  	_ =	shalt  }
0x61: {  	_ =	shalt  }
0x62: {  	_ =	shalt  }
0x63: {  	_ =	shalt  }
0x64: {  	_ =	shalt  }
0x65: {  	_ =	shalt  }
0x66: {  	_ =	shalt  }
0x67: {  	_ =	shalt  }
0x68: {  	_ =	shalt  }
0x69: {  	_ =	shalt  }
0x6a: {  	_ =	shalt  }
0x6b: {  	_ =	shalt  }
0x6c: {  	_ =	shalt  }
0x6d: {  	_ =	shalt  }
0x6e: {  	_ =	shalt  }
0x6f: {  	_ =	shalt  }
0x70: {  	_ =	shalt  }
0x71: {  	_ =	shalt  }
0x72: {  	_ =	shalt  }
0x73: {  	_ =	shalt  }
0x74: {  	_ =	shalt  }
0x75: {  	_ =	shalt  }
0x76: {  	_ =	shalt  }
0x77: {  	_ =	shalt  }
0x78: {  	_ =	shalt  }
0x79: {  	_ =	shalt  }
0x7a: {  	_ =	shalt  }
0x7b: {  	_ =	shalt  }
0x7c: {  	_ =	shalt  }
0x7d: {  	_ =	shalt  }
0x7e: {  	_ =	shalt  }
0x7f: {  	_ =	shalt  }
0x80: {  	_ =	shalt  }
0x81: {  	_ =	shalt  }
0x82: {  	_ =	shalt  }
0x83: {  	_ =	shalt  }
0x84: {  	_ =	shalt  }
0x85: {  	_ =	shalt  }
0x86: {  	_ =	shalt  }
0x87: {  	_ =	shalt  }
.Lfunc_end0:
.L_simem_size_0:
called_computation_lowered:
.L_overlay_start_0:
0x88: {  	s2 =	sld [smem:$0x3FD9]  }
0x89: {  	s3 =	sld [smem:$0x3FFE];
	_ =	sdelay $0x1  }
0x8a: {  	s1 =	srdreg.scid  }
0x8b: {  	s0 =	sand.u32 $0x1, s1  }
0x8c: {  	s14 =	sshll.u32 s0, $0xA;
	s2 =	sadd.s32 s3, s2  }
0x8d: {  	s2 =	sadd.s32 s2, s14  }
0x8e: {  	[smem:$0x3FBE] =	sst s2  }
0x8f: {  	_ = 	snop  }
0x90: {  	s2 =	sld [smem:$0x3FD0];
	_ =	sdelay $0x2  }
0x91: {  	s15 =	simm.s32 $0xA;
	s4 =	simm.s32 $0x10  }
0x92: {  	[smem:s4], [sflag:s15] =	dma.local [hbm:s2], $0x1  }
0x93: {  	_ =	swait.eq [sflag:s15], $0x1  }
0x94: {  	[sflag:s15] =	ssyncset.done $0x0  }
0x95: {  	[sflag:s15] =	ssyncadd.s32 $0xFFFFFFFF  }
0x96: {  	s16 =	sld [smem:$0x11];
	(tm) =	ssettm $0x1  }
0x97: {  	s17 =	sld [smem:$0x3FFB];
	_ =	sdelay $0x3  }
0x98: {  	_ =	strace s17  }
0x99: {  	s3 =	sld [smem:$0x3FFC];
	_ =	sdelay $0x3  }
0x9a: {  	_ =	strace s3  }
0x9b: {  	s3 =	sld [smem:$0x3FFD];
	_ =	sdelay $0x3  }
0x9c: {  	_ =	strace s3  }
0x9d: {  	_ =	strace $0x8FFFFFFF  }
0x9e: {  	s18 =	sld [smem:$0x3FDB];
	_ =	sdelay $0x1  }
0x9f: {  	s19 =	simm.s32 $_scs_section_size  }
0xa0: {  	s5 =	simm.s32 $_size__tile_overlayer_lowered;
	s6 =	simm.s32 $_tile_overlayer_lowered  }
0xa1: {  	s22 =	simm.s32 $0x1BFF;
	s21 =	sshll.u32 s6, $0x1;
	s3 =	sadd.s32 s19, s18  }
0xa2: {  	s7 =	simm.s32 $0x0;
	s20 =	sshll.u32 s5, $0x1;
	s5 =	sadd.s32 s21, s3  }
0xa3: {  	[timem:s7], [sflag:s22] =	dma.local [hbm:s5], s20  }
0xa4: {  	_ =	swait.ge [sflag:s22], s20  }
0xa5: {  	s4 =	ssub.s32 $0x0, s20;
	[sflag:s22] =	ssyncset.done $0x0  }
0xa6: {  	[sflag:s22] =	ssyncadd.s32 s4;
	_ =	sdelay $0x1  }
0xa7: {  	s23 =	simm.s32 $0x1B8B  }
0xa8: {  	_ =	swait.ge [sflag:s23], $0x1  }
0xa9: {  	[sflag:s23] =	ssyncset.done $0x0  }
0xaa: {  	s25 =	simm.s32 $0x1B8E;
	s24 =	sld [smem:$0x3FFE];
	[sflag:s23] =	ssyncadd.s32 $0xFFFFFFFF  }
0xab: {  	s26 =	simm.s32 $execute0_lowered;
	[smem:$0x3FD2] =	sst s25  }
0xac: {  	s5 =	sshll.u32 s26, $0x1;
	_ =	strace $0x80000046;
	[dreg:$0x1] =	wrdreg $0xFFFFFFFF  }
0xad: {  	s28 =	simm.s32 $_size_execute0_lowered;
	s3 =	sadd.s32 s3, s5;
	[dreg:$0x0] =	wrdreg $0x0  }
0xae: {  	s5 =	sshll.u32 s28, $0x1;
	[dreg:$0x2] =	wrdreg s3  }
0xaf: {  	[dreg:$0x3] =	wrdreg s5  }
0xb0: {  	[dreg:$0x4] =	wrdreg $0xC0  }
0xb1: {  	_ =	task [dreg:s7], $0x5FFFF  }
0xb2: {  	[dreg:$0x1] =	wrdreg $0xFFFFFFFF  }
0xb3: {  	[dreg:$0x0] =	wrdreg $0x60  }
0xb4: {  	[dreg:$0x2] =	wrdreg s16  }
0xb5: {  	[dreg:$0x3] =	wrdreg s24  }
0xb6: {  	[dreg:$0x4] =	wrdreg $0x68000  }
0xb7: {  	[dreg:$0x5] =	wrdreg $0x9  }
0xb8: {  	_ =	task.clear_ibuf [dreg:s7], $0x6FFFF;
	_ =	strace $0x90000046  }
0xb9: {  	s29 =	simm.s32 $0x9;
	_ =	strace $0x80000048  }
0xba: {  	_ =	swait.ge [sflag:s29], $0x1  }
0xbb: {  	[sflag:s29] =	ssyncadd.s32 $0xFFFFFFFF  }
0xbc: {  	_ =	strace $0x90000048  }
0xbd: {  	_ =	sfence  }
0xbe: {  	s30 =	sld [smem:$0x0];
	_ =	sdelay $0x2  }
0xbf: {  	s31 =	sshll.u32 s1, $0xD;
	s1 =	sshrl.u32 s1, $0x2  }
0xc0: {  	s3 =	sand.u32 $0x4000, s31;
	s1 =	sadd.s32 s1, s30  }
0xc1: {  	s0 =	sor.u32 s3, s0;
	s1 =	sshll.u32 s1, $0x11  }
0xc2: {  	s0 =	sor.u32 s1, s0  }
0xc3: {  	s0 =	sadd.s32 $0x8F2B, s0  }
0xc4: {  	[sflag:s0] =	ssyncadd.remote.s32 $0x1  }
0xc5: {  	_ =	sfence.sel $0xFFFF  }
0xc6: {  	[dreg:$0x0] =	wrdreg $0xFFFFFFFF;
	(pc) =	sbr.abs _section_cstart, $3  }
0xc7: {  	[dreg:$0x1] =	wrdreg $0xFFFFFFFF  }
0xc8: {  	_ =	task.clear_ibuf [dreg:s7], $0x2FFFF;
	_ =	strace $0x9FFFFFFF  }
0xc9: {  	(tm) =	ssettm $0x7FFFFFFF  }
tec
execute0_lowered:
.L_overlay_start_1:
0x0: {  	(tag) =	ssettag $0x1  }
0x1: {  	s6 =	rddreg [dreg:$0x0]  }
0x2: {  	s5 =	rddreg [dreg:$0x1]  }
0x3: {  	s2 =	rddreg [dreg:$0x2]  }
0x4: {  	s0 =	stileid.u32;
	s7 =	srdreg.scid  }
0x5: {  	s1 =	rddreg [dreg:$0x3];
	s3 =	simm.s32 $0x0;
	s13 =	simm.s32 $0x50  }
0x6: {  	s14 =	simm.s32 $0x0;
	s4 =	smul.u32 $0x13C00, s0;
	s7 =	sand.u32 $0x1, s7  }
0x7: {  	[smem:$0x7FF] =	sst s3;
	s11 =	smul.u32 $0x4F000, s0;
	s30 =	sshll.u32 s0, $0x6  }
0x8: {  	s31 =	sshll.u32 s0, $0xC;
	s9 =	smul.u32 $0x13C000, s7;
	_ =	strace $0x80000047  }
0x9: {  	s10 =	ssub.s32 $0x2, s7;
	s7 =	sshll.u32 s7, $0xB;
	s8 =	sshrl.u32 s4, $0x3  }
0xa: {  	s12 =	sshrl.u32 s10, $0x1;
	s29 =	sshrl.u32 s11, $0x2;
	s7 =	sadd.s32 s6, s7  }
0xb: {  	s6 =	sor.u32 $0x1C01, s30;
	s8 =	sadd.s32 s8, s5;
	s9 =	sadd.s32 s4, s9  }
0xc: {  	s4 =	sadd.s32 $0x2A800, s5;
	s10 =	ssub.s32 s10, s12;
	s9 =	sshrl.u32 s9, $0x3  }
0xd: {  	s11 =	sadd.s32 s29, s2;
	s7 =	sadd.s32 s31, s7;
	s9 =	sadd.s32 s9, s5  }
0xe: {  	s12 =	simm.s32 $0x4000;
	s5 =	sadd.s32 $0x3000, s8;
	s8 =	sadd.s32 $0x2AE00, s9  }
0xf: {  	s9 =	smax.u32 s10, $0x1;
	s10 =	sshrl.u32 s11, $0x3;
	s11 =	simm.s32 $0x1  }
.LBB2_1:
0x10: {  	[spmem:s10], [sflag:s6] =	dma.local [hbm:s5], $0x2780  }
0x11: {  	_ =	swait.ge [sflag:s11], $0x2780  }
0x12: {  	[sflag:s11] =	ssyncset.done $0x0  }
0x13: {  	[sflag:s11] =	ssyncadd.s32 $0xFFFFD880  }
0x14: {  	[tilespmem:s3], [sflag:$0x1] =	stream.linear.gather [hbm4b:s7+s3], $0x3E80, $0x38;
	[tilespmem:$0x1A400] =	vst v63  }
0x15: {  	_ =	swait.ge [sflag:s11], $0x3E80  }
0x16: {  	[sflag:s11] =	ssyncset.done $0x0  }
0x17: {  	[sflag:s11] =	ssyncadd.s32 $0xFFFFC180  }
0x18: {  	[tilespmem:s12], [sflag:$0x1] =	stream.linear.gather [hbm4b:s4+s3], $0x2800, $0x38;
	[tilespmem:$0x1A400] =	vst v63  }
0x19: {  	_ =	swait.ge [sflag:s11], $0x2800  }
0x1a: {  	[sflag:s11] =	ssyncset.done $0x0  }
0x1b: {  	[sflag:s11] =	ssyncadd.s32 $0xFFFFD800  }
0x1c: {  	s15 =	simm.s32 $0x0;
	[bflag:$0x0] =	sbarrier.arrive $0xFFFF  }
0x1d: {  	[spmem:s2] =	stream.indirect.scatter.add.f32 [tilespmem:s12], [sflag:$0x1], $0x80, s15, s13, $0xb8;
	[tilespmem:$0x1A400] =	vst v63  }
0x1e: {  	_ =	swait.ge [sflag:s11], $0x2800  }
0x1f: {  	s15 =	simm.s32 $0x200;
	[sflag:s11] =	ssyncset.done $0x0  }
.LBB2_2:
0x20: {  	s16 =	sshra.s32 s15, $0x2;
	[sflag:s11] =	ssyncadd.s32 $0xFFFFD800;
	p0 =	sne.s32 s15, $0xF800  }
0x21: {  	[spmem:s2] =	stream.indirect.scatter.add.f32 [tilespmem:s12], [sflag:$0x1], $0x80, s16, s13, $0xb8;
	[tilespmem:$0x1A400] =	vst v63  }
.Ltmp0:
0x22: {  	_ = 	snop;
	(pc) =	sbr.rel @p0 .LBB2_2-.Ltmp0, $4  }
0x23: {  	_ = 	snop  }
0x24: {  	s15 =	sadd.s32 $0x200, s15  }
0x25: {  	_ =	swait.ge [sflag:s11], $0x2800  }
0x26: {  	[sflag:s11] =	ssyncset.done $0x0  }
0x27: {  	s14 =	sadd.s32 $0x1, s14  }
0x28: {  	[sflag:s11] =	ssyncadd.s32 $0xFFFFD800;
	p0 =	sne.s32 s14, s9  }
.Ltmp1:
0x29: {  	[bflag:$0x0] =	sbarrier.arrive $0xFFFF;
	(pc) =	sbr.rel @p0 .LBB2_1-.Ltmp1, $4  }
0x2a: {  	[hbm:s8], [sflag:s6] =	dma.local [spmem:s10], $0x2780  }
0x2b: {  	_ =	swait.ge [sflag:s11], $0x2780  }
0x2c: {  	[sflag:s11] =	ssyncset.done $0x0  }
0x2d: {  	[sflag:s11] =	ssyncadd.s32 $0xFFFFD880  }
0x2e: {  	_ =	sfence.sel $0x180000  }
0x2f: {  	[bflag:$0x0] =	sbarrier.arrive $0xFFFF  }
0x30: {  	p0 =	sne.s32 s0, $0x0;
	_ =	strace $0x90000047  }
0x31: {  	s0 =	sadd.s32 @!p0 $0x100000, s1;
	[bflag:$0x2] =	sbarrier.arrive $0xFFFF  }
0x32: {  	[sflag:s0] =	ssyncadd.tile.s32 @!p0 $0x1;
	_ =	shalt  }
.Lfunc_end2:
_tile_overlayer_lowered:
.L_overlay_start_2:
0x33: {  	(tag) =	ssettag $0x2  }
0x34: {  	s0 =	rddreg [dreg:$0x0];
	s2 =	stileid.u32  }
0x35: {  	s1 =	rddreg [dreg:$0x1];
	p0 =	sne.s32 s2, $0x0  }
0x36: {  	s3 =	rddreg [dreg:$0x2];
	[bflag:$0x3] =	sbarrier.arrive $0xFFFF;
	s2 =	simm.s32 @!p0 $0x1C01  }
0x37: {  	[timem:s3], [sflag:s2] =	dma.local @!p0 [hbm:s0], s1  }
0x38: {  	s0 =	simm.s32 @!p0 $0x1  }
0x39: {  	_ =	swait.ge @!p0 [sflag:s0], s1  }
0x3a: {  	s1 =	ssub.s32 @!p0 $0x0, s1;
	[sflag:s0] =	ssyncset.done @!p0 $0x0  }
0x3b: {  	[sflag:s0] =	ssyncadd.s32 @!p0 s1  }
0x3c: {  	[bflag:$0x3] =	sbarrier.arrive $0xFFFF  }
0x3d: {  	_ =	shalt  }

// kernel: kernel.14.cloned.1.call-start
scs
__scs_entry_jumppad:
0x0: {  	(pc) =	sbr.rel $0x88, $3  }
0x1: {  	(tag) =	ssettag $0x0;
	lr =	simm.s32 $0x1  }
0x2: {  	[smem:$0x3F97] =	sst lr;
	_ =	strace $0xD0000000  }
0x3: {  	_ = 	snop  }
0x4: {  	_ = 	snop  }
0x5: {  	_ = 	snop  }
0x6: {  	_ = 	snop  }
0x7: {  	_ = 	snop  }
__scs_overlays_trampoline_lowered:
0x8: {  	[smem:$0x3FA6] =	sst s0  }
0x9: {  	[smem:$0x3FA7] =	sst s1  }
0xa: {  	[smem:$0x3FA8] =	sst s2  }
0xb: {  	[smem:$0x3FA9] =	sst s3  }
0xc: {  	[smem:$0x3FAA] =	sst s4  }
0xd: {  	[smem:$0x3FAB] =	sst s5  }
0xe: {  	[smem:$0x3FAC] =	sst s6  }
0xf: {  	[smem:$0x3FAD] =	sst s7  }
0x10: {  	[smem:$0x3FAE] =	sst s8  }
0x11: {  	[smem:$0x3FAF] =	sst s9;
	s0 =	simm.s32 @!p0 $0x0  }
0x12: {  	s1 =	sld [smem:$0x3F95];
	s0 =	simm.s32 @p0 $0x1  }
0x13: {  	[smem:$0x3FB0] =	sst s0;
	s0 =	simm.s32 @!p1 $0x0  }
0x14: {  	s2 =	sld [smem:$0x3F94];
	s0 =	simm.s32 @p1 $0x1  }
0x15: {  	[smem:$0x3FB1] =	sst s0;
	s0 =	simm.s32 @!p2 $0x0  }
0x16: {  	s3 =	sld [smem:$0x3FDB];
	s0 =	simm.s32 @p2 $0x1  }
0x17: {  	s4 =	simm.s32 $0x1BF5;
	[smem:$0x3FB3] =	sst s0  }
0x18: {  	s0 =	sld [smem:$0x3F96];
	_ =	swait.ge [sflag:s4], $0x0  }
0x19: {  	s7 =	sld [smem:$0x3F97]  }
0x1a: {  	s8 =	sadd.s32 $0xFFFFE003, lr  }
0x1b: {  	s9 =	sadd.s32 $0xFFFFFEF7, lr;
	s5 =	simm.s32 $0xFFFFFFFF;
	p2 =	slt.u32 s8, $0xFFFFF086  }
0x1c: {  	p1 =	slt.u32 s9, $0xF7A;
	s5 =	simm.s32 @!p2 $0x0  }
0x1d: {  	s5 =	simm.s32 @p1 $0x1;
	p0 =	seq.s32 s7, s2  }
0x1e: {  	s7 =	smul.u32 @!p0 $0xF7A, s2;
	p2 =	seq.s32 @!p0 s5, $0x0  }
0x1f: {  	s9 =	smul.u32 $0xF7A, s1;
	s8 =	simm.s32 @!p0 $0x1BF5;
	p2 =	por !p2, p0  }
0x20: {  	[sflag:s8] =	ssyncset.s32 @!p0 $0xFFFFF086;
	s6 =	sadd.s32 @!p0 s3, s7;
	s7 =	simm.s32 @!p0 $0x108  }
0x21: {  	s3 =	sadd.s32 s3, s9;
	s6 =	sadd.s32 @!p0 $0x88, s6;
	s7 =	simm.s32 @p2 $0x1082  }
0x22: {  	[simem:s7], [sflag:s8] =	dma.local @!p0 [hbm:s6], $0xF7A  }
0x23: {  	s9 =	sor.u32 $0xD0000000, s2;
	s6 =	simm.s32 $0x108;
	_ =	swait.ge @!p0 [sflag:s8], $0x0  }
0x24: {  	s3 =	sadd.s32 $0x88, s3;
	s6 =	simm.s32 @!p1 $0x1082;
	[sflag:s4] =	ssyncset.s32 $0xFFFFF086  }
0x25: {  	[simem:s6], [sflag:s4] =	dma.local [hbm:s3], $0xF7A  }
0x26: {  	[smem:$0x3F97] =	sst s1;
	(tag) =	ssettag s2;
	_ =	strace s9  }
0x27: {  	s1 =	sld [smem:$0x3FA7]  }
0x28: {  	s2 =	sld [smem:$0x3FA8]  }
0x29: {  	s4 =	sld [smem:$0x3FAA]  }
0x2a: {  	p0 =	seq.s32 s5, $0x0;
	s5 =	sld [smem:$0x3FAB]  }
0x2b: {  	s6 =	sld [smem:$0x3FAC]  }
0x2c: {  	s7 =	sld [smem:$0x3FAD]  }
0x2d: {  	s3 =	simm.s32 $0x108;
	s8 =	sld [smem:$0x3FAE]  }
0x2e: {  	s3 =	simm.s32 @!p0 $0x1082;
	s9 =	sld [smem:$0x3FAF]  }
0x2f: {  	lr =	sadd.s32 s0, s3;
	s0 =	sld [smem:$0x3FA6]  }
0x30: {  	s3 =	sld [smem:$0x3FA9]  }
0x31: {  	[smem:$0x3FB2] =	sst s10  }
0x32: {  	s10 =	sld [smem:$0x3FB0];
	_ =	sdelay $0x3  }
0x33: {  	p0 =	seq.s32 s10, $0x1;
	s10 =	sld [smem:$0x3FB2];
	_ =	sdelay $0x3  }
0x34: {  	[smem:$0x3FB2] =	sst s10  }
0x35: {  	s10 =	sld [smem:$0x3FB1];
	_ =	sdelay $0x3  }
0x36: {  	p1 =	seq.s32 s10, $0x1;
	s10 =	sld [smem:$0x3FB2];
	_ =	sdelay $0x3  }
0x37: {  	[smem:$0x3FB2] =	sst s10  }
0x38: {  	s10 =	sld [smem:$0x3FB3]  }
0x39: {  	_ = 	snop;
	(pc) =	sbr.ind lr, $3  }
0x3a: {  	_ = 	snop  }
0x3b: {  	_ = 	snop  }
0x3c: {  	p2 =	seq.s32 s10, $0x1;
	s10 =	sld [smem:$0x3FB2]  }
0x3d: {  	_ =	shalt  }
0x3e: {  	_ =	shalt  }
0x3f: {  	_ =	shalt  }
0x40: {  	_ =	shalt  }
0x41: {  	_ =	shalt  }
0x42: {  	_ =	shalt  }
0x43: {  	_ =	shalt  }
0x44: {  	_ =	shalt  }
0x45: {  	_ =	shalt  }
0x46: {  	_ =	shalt  }
0x47: {  	_ =	shalt  }
0x48: {  	_ =	shalt  }
0x49: {  	_ =	shalt  }
0x4a: {  	_ =	shalt  }
0x4b: {  	_ =	shalt  }
0x4c: {  	_ =	shalt  }
0x4d: {  	_ =	shalt  }
0x4e: {  	_ =	shalt  }
0x4f: {  	_ =	shalt  }
0x50: {  	_ =	shalt  }
0x51: {  	_ =	shalt  }
0x52: {  	_ =	shalt  }
0x53: {  	_ =	shalt  }
0x54: {  	_ =	shalt  }
0x55: {  	_ =	shalt  }
0x56: {  	_ =	shalt  }
0x57: {  	_ =	shalt  }
0x58: {  	_ =	shalt  }
0x59: {  	_ =	shalt  }
0x5a: {  	_ =	shalt  }
0x5b: {  	_ =	shalt  }
0x5c: {  	_ =	shalt  }
0x5d: {  	_ =	shalt  }
0x5e: {  	_ =	shalt  }
0x5f: {  	_ =	shalt  }
0x60: {  	_ =	shalt  }
0x61: {  	_ =	shalt  }
0x62: {  	_ =	shalt  }
0x63: {  	_ =	shalt  }
0x64: {  	_ =	shalt  }
0x65: {  	_ =	shalt  }
0x66: {  	_ =	shalt  }
0x67: {  	_ =	shalt  }
0x68: {  	_ =	shalt  }
0x69: {  	_ =	shalt  }
0x6a: {  	_ =	shalt  }
0x6b: {  	_ =	shalt  }
0x6c: {  	_ =	shalt  }
0x6d: {  	_ =	shalt  }
0x6e: {  	_ =	shalt  }
0x6f: {  	_ =	shalt  }
0x70: {  	_ =	shalt  }
0x71: {  	_ =	shalt  }
0x72: {  	_ =	shalt  }
0x73: {  	_ =	shalt  }
0x74: {  	_ =	shalt  }
0x75: {  	_ =	shalt  }
0x76: {  	_ =	shalt  }
0x77: {  	_ =	shalt  }
0x78: {  	_ =	shalt  }
0x79: {  	_ =	shalt  }
0x7a: {  	_ =	shalt  }
0x7b: {  	_ =	shalt  }
0x7c: {  	_ =	shalt  }
0x7d: {  	_ =	shalt  }
0x7e: {  	_ =	shalt  }
0x7f: {  	_ =	shalt  }
0x80: {  	_ =	shalt  }
0x81: {  	_ =	shalt  }
0x82: {  	_ =	shalt  }
0x83: {  	_ =	shalt  }
0x84: {  	_ =	shalt  }
0x85: {  	_ =	shalt  }
0x86: {  	_ =	shalt  }
0x87: {  	_ =	shalt  }
.Lfunc_end0:
.L_simem_size_0:
called_computation.1_lowered:
.L_overlay_start_0:
0x88: {  	s2 =	sld [smem:$0x3FD9]  }
0x89: {  	s3 =	sld [smem:$0x3FFE];
	_ =	sdelay $0x1  }
0x8a: {  	s1 =	srdreg.scid  }
0x8b: {  	s0 =	sand.u32 $0x1, s1  }
0x8c: {  	s14 =	sshll.u32 s0, $0xA;
	s2 =	sadd.s32 s3, s2  }
0x8d: {  	s2 =	sadd.s32 s2, s14  }
0x8e: {  	[smem:$0x3FBE] =	sst s2  }
0x8f: {  	_ = 	snop  }
0x90: {  	s2 =	sld [smem:$0x3FD0];
	_ =	sdelay $0x2  }
0x91: {  	s15 =	simm.s32 $0xA;
	s4 =	simm.s32 $0x10  }
0x92: {  	[smem:s4], [sflag:s15] =	dma.local [hbm:s2], $0x1  }
0x93: {  	_ =	swait.eq [sflag:s15], $0x1  }
0x94: {  	[sflag:s15] =	ssyncset.done $0x0  }
0x95: {  	s16 =	sld [smem:$0x10];
	[sflag:s15] =	ssyncadd.s32 $0xFFFFFFFF  }
0x96: {  	s17 =	sld [smem:$0x11];
	(tm) =	ssettm $0x1  }
0x97: {  	s18 =	sld [smem:$0x3FFB];
	_ =	sdelay $0x3  }
0x98: {  	_ =	strace s18  }
0x99: {  	s4 =	sld [smem:$0x3FFC];
	_ =	sdelay $0x3  }
0x9a: {  	_ =	strace s4  }
0x9b: {  	s4 =	sld [smem:$0x3FFD];
	_ =	sdelay $0x3  }
0x9c: {  	_ =	strace s4  }
0x9d: {  	_ =	strace $0x8FFFFFFF  }
0x9e: {  	s19 =	sld [smem:$0x3FDB];
	_ =	sdelay $0x1  }
0x9f: {  	s5 =	simm.s32 $_scs_section_size  }
0xa0: {  	s6 =	simm.s32 $_size__tile_overlayer_lowered;
	s7 =	simm.s32 $_tile_overlayer_lowered  }
0xa1: {  	s22 =	simm.s32 $0x1BFF;
	s21 =	sshll.u32 s7, $0x1;
	s4 =	sadd.s32 s5, s19  }
0xa2: {  	s8 =	simm.s32 $0x0;
	s20 =	sshll.u32 s6, $0x1;
	s6 =	sadd.s32 s21, s4  }
0xa3: {  	[timem:s8], [sflag:s22] =	dma.local [hbm:s6], s20  }
0xa4: {  	_ =	swait.ge [sflag:s22], s20  }
0xa5: {  	s5 =	ssub.s32 $0x0, s20;
	[sflag:s22] =	ssyncset.done $0x0  }
0xa6: {  	[sflag:s22] =	ssyncadd.s32 s5;
	_ =	sdelay $0x1  }
0xa7: {  	s23 =	simm.s32 $0x1B8B  }
0xa8: {  	_ =	swait.ge [sflag:s23], $0x1  }
0xa9: {  	[sflag:s23] =	ssyncset.done $0x0  }
0xaa: {  	s25 =	simm.s32 $0x1B8E;
	s24 =	sld [smem:$0x3FFE];
	[sflag:s23] =	ssyncadd.s32 $0xFFFFFFFF  }
0xab: {  	s26 =	simm.s32 $execute0_lowered;
	[smem:$0x3FD2] =	sst s25  }
0xac: {  	s6 =	sshll.u32 s26, $0x1;
	_ =	strace $0x80000049;
	[dreg:$0x1] =	wrdreg $0xFFFFFFFF  }
0xad: {  	s28 =	simm.s32 $_size_execute0_lowered;
	s4 =	sadd.s32 s4, s6;
	[dreg:$0x0] =	wrdreg $0x0  }
0xae: {  	s6 =	sshll.u32 s28, $0x1;
	[dreg:$0x2] =	wrdreg s4  }
0xaf: {  	[dreg:$0x3] =	wrdreg s6  }
0xb0: {  	[dreg:$0x4] =	wrdreg $0xC0  }
0xb1: {  	_ =	task [dreg:s8], $0x5FFFF  }
0xb2: {  	[dreg:$0x1] =	wrdreg $0xFFFFFFFF  }
0xb3: {  	[dreg:$0x0] =	wrdreg $0x60  }
0xb4: {  	[dreg:$0x2] =	wrdreg s24  }
0xb5: {  	[dreg:$0x3] =	wrdreg s16  }
0xb6: {  	[dreg:$0x4] =	wrdreg s17  }
0xb7: {  	[dreg:$0x5] =	wrdreg $0xB7800  }
0xb8: {  	[dreg:$0x6] =	wrdreg $0x9  }
0xb9: {  	_ =	task.clear_ibuf [dreg:s8], $0x7FFFF;
	_ =	strace $0x90000049  }
0xba: {  	s29 =	simm.s32 $0x9;
	_ =	strace $0x8000004B  }
0xbb: {  	_ =	swait.ge [sflag:s29], $0x1  }
0xbc: {  	[sflag:s29] =	ssyncadd.s32 $0xFFFFFFFF  }
0xbd: {  	_ =	strace $0x9000004B  }
0xbe: {  	_ =	sfence  }
0xbf: {  	s30 =	sld [smem:$0x0];
	_ =	sdelay $0x2  }
0xc0: {  	s31 =	sshll.u32 s1, $0xD;
	s1 =	sshrl.u32 s1, $0x2  }
0xc1: {  	s3 =	sand.u32 $0x4000, s31;
	s1 =	sadd.s32 s1, s30  }
0xc2: {  	s0 =	sor.u32 s3, s0;
	s1 =	sshll.u32 s1, $0x11  }
0xc3: {  	s0 =	sor.u32 s1, s0  }
0xc4: {  	s0 =	sadd.s32 $0x8F2B, s0  }
0xc5: {  	[sflag:s0] =	ssyncadd.remote.s32 $0x1  }
0xc6: {  	_ =	sfence.sel $0xFFFF  }
0xc7: {  	[dreg:$0x0] =	wrdreg $0xFFFFFFFF;
	(pc) =	sbr.abs _section_cstart, $3  }
0xc8: {  	[dreg:$0x1] =	wrdreg $0xFFFFFFFF  }
0xc9: {  	_ =	task.clear_ibuf [dreg:s8], $0x2FFFF;
	_ =	strace $0x9FFFFFFF  }
0xca: {  	(tm) =	ssettm $0x7FFFFFFF  }
0xcb: {  	_ =	shalt  }
tec
execute0_lowered:
.L_overlay_start_1:
0x0: {  	(tag) =	ssettag $0x1  }
0x1: {  	s5 =	rddreg [dreg:$0x0]  }
0x2: {  	s7 =	rddreg [dreg:$0x1]  }
0x3: {  	s8 =	rddreg [dreg:$0x2]  }
0x4: {  	s2 =	rddreg [dreg:$0x3]  }
0x5: {  	s0 =	rddreg [dreg:$0x4]  }
0x6: {  	s1 =	stileid.u32;
	s4 =	srdreg.scid  }
0x7: {  	s3 =	simm.s32 $0x0;
	s15 =	simm.s32 $0x6780;
	s16 =	simm.s32 $0x8F80  }
0x8: {  	s17 =	simm.s32 $0x1;
	s18 =	simm.s32 $0x2;
	s19 =	simm.s32 $0x6580  }
0x9: {  	s20 =	simm.s32 $0x0;
	s6 =	smul.u32 $0x13C00, s1;
	s9 =	sand.u32 $0x1, s4  }
0xa: {  	[smem:$0x7FF] =	sst s3;
	s4 =	sadd.s32 $0x2A800, s5;
	s23 =	smul.u32 $0x4F000, s1  }
0xb: {  	s25 =	sshll.u32 s1, $0x1;
	s31 =	sshll.u32 s1, $0x6;
	s10 =	smul.u32 $0x13C000, s9  }
0xc: {  	_ =	strace $0x8000004A;
	s24 =	ssub.s32 $0x2, s9;
	s11 =	sshrl.u32 s6, $0x3  }
0xd: {  	s13 =	sshrl.u32 s24, $0x1;
	s26 =	sshrl.u32 s23, $0x2;
	s6 =	sadd.s32 s6, s10  }
0xe: {  	s22 =	sadd.s32 s11, s5;
	s28 =	ssub.s32 s24, s13;
	s29 =	sadd.s32 s26, s2  }
0xf: {  	s13 =	simm.s32 $0x2780;
	s6 =	sshrl.u32 s6, $0x3;
	s10 =	smax.u32 s28, $0x1  }
0x10: {  	s11 =	sshrl.u32 s29, $0x3;
	s12 =	sadd.s32 s6, s5;
	s6 =	sor.u32 s9, s25  }
0x11: {  	s5 =	sadd.s32 $0x3000, s22;
	s30 =	smul.u32 $0x4E2, s6;
	s14 =	sshll.u32 s6, $0xB  }
0x12: {  	s6 =	sor.u32 $0x1C03, s31;
	s9 =	sadd.s32 $0x51A00, s12;
	s12 =	simm.s32 $0x3  }
0x13: {  	s8 =	sadd.s32 s8, s14;
	s14 =	simm.s32 $0x50;
	s7 =	sadd.s32 s7, s30  }
.LBB2_1:
0x14: {  	[spmem:s11], [sflag:s6] =	dma.local [hbm:s5], $0x2780  }
0x15: {  	_ =	swait.ge [sflag:s12], $0x2780  }
0x16: {  	[sflag:s12] =	ssyncset.done $0x0  }
0x17: {  	[sflag:s12] =	ssyncadd.s32 $0xFFFFD880  }
0x18: {  	[tilespmem:s3], [sflag:$0x3] =	stream.linear.gather [hbm4b:s7+s3], $0x2710, $0x38;
	[tilespmem:$0x1F380] =	vst v63  }
0x19: {  	_ =	swait.ge [sflag:s12], $0x2710  }
0x1a: {  	[sflag:s12] =	ssyncset.done $0x0  }
0x1b: {  	[sflag:s12] =	ssyncadd.s32 $0xFFFFD8F0  }
0x1c: {  	[tilespmem:s13], [sflag:$0x3] =	stream.linear.gather [hbm4b:s8+s3], $0x3E80, $0x38;
	[tilespmem:$0x1F380] =	vst v63  }
0x1d: {  	_ =	swait.ge [sflag:s12], $0x3E80  }
0x1e: {  	[sflag:s12] =	ssyncset.done $0x0  }
0x1f: {  	[sflag:s12] =	ssyncadd.s32 $0xFFFFC180  }
0x20: {  	[bflag:$0x0] =	sbarrier.arrive $0xFFFF  }
0x21: {  	[tilespmem:s15], [sflag:$0x1] =	stream.indirect.gather [hbm4b:s4+s14], $0x80, s3, s14, $0xb8;
	[tilespmem:$0x1F380] =	vst v63  }
0x22: {  	s21 =	simm.s32 $0x50  }
0x23: {  	[tilespmem:s16], [sflag:$0x2] =	stream.indirect.gather [hbm4b:s4+s14], $0x80, s21, s14, $0xb8;
	[tilespmem:$0x1F380] =	vst v63  }
0x24: {  	_ =	swait.ge [sflag:s17], $0x2800  }
0x25: {  	[sflag:s17] =	ssyncset.done $0x0  }
0x26: {  	s29 =	simm.s32 $0x2780;
	[sflag:s17] =	ssyncadd.s32 $0xFFFFD800  }
0x27: {  	[spmem:s2] =	stream.indirect.scatter.add.f32 [tilespmem:s15], [sflag:$0x3], $0x80, s29, s14, $0xb8;
	[tilespmem:$0x1F380] =	vst v63  }
0x28: {  	_ =	swait.ge [sflag:s12], $0x2800  }
0x29: {  	[sflag:s12] =	ssyncset.done $0x0  }
0x2a: {  	s30 =	simm.s32 $0xA0;
	[sflag:s12] =	ssyncadd.s32 $0xFFFFD800  }
0x2b: {  	[tilespmem:s15], [sflag:$0x1] =	stream.indirect.gather [hbm4b:s4+s14], $0x80, s30, s14, $0xb8;
	[tilespmem:$0x1F380] =	vst v63  }
0x2c: {  	_ =	swait.ge [sflag:s18], $0x2800  }
0x2d: {  	[sflag:s18] =	ssyncset.done $0x0  }
0x2e: {  	s31 =	simm.s32 $0x2800;
	[sflag:s18] =	ssyncadd.s32 $0xFFFFD800  }
0x2f: {  	[spmem:s2] =	stream.indirect.scatter.add.f32 [tilespmem:s16], [sflag:$0x3], $0x80, s31, s14, $0xb8;
	[tilespmem:$0x1F380] =	vst v63  }
0x30: {  	s22 =	simm.s32 $0x400;
	_ =	swait.ge [sflag:s12], $0x2800  }
0x31: {  	s23 =	simm.s32 $0x800;
	s21 =	simm.s32 $0x140;
	[sflag:s12] =	ssyncset.done $0x0  }
.LBB2_2:
0x32: {  	p0 =	sne.s32 s23, $0xF400;
	s24 =	sadd.s32 $0xFFFFFFB0, s21;
	[sflag:s12] =	ssyncadd.s32 $0xFFFFD800  }
0x33: {  	[tilespmem:s16], [sflag:$0x2] =	stream.indirect.gather [hbm4b:s4+s14], $0x80, s24, s14, $0xb8;
	[tilespmem:$0x1F380] =	vst v63  }
0x34: {  	s24 =	smov.u32 s23;
	s23 =	sadd.s32 $0x400, s23;
	_ =	swait.ge [sflag:s17], $0x2800  }
0x35: {  	s25 =	sshra.s32 s22, $0x2;
	s22 =	smov.u32 s24;
	[sflag:s17] =	ssyncset.done $0x0  }
0x36: {  	s24 =	sadd.s32 $0x2780, s25;
	[sflag:s17] =	ssyncadd.s32 $0xFFFFD800  }
0x37: {  	[spmem:s2] =	stream.indirect.scatter.add.f32 [tilespmem:s15], [sflag:$0x3], $0x80, s24, s14, $0xb8;
	[tilespmem:$0x1F380] =	vst v63  }
0x38: {  	_ =	swait.ge [sflag:s12], $0x2800  }
0x39: {  	[sflag:s12] =	ssyncset.done $0x0  }
0x3a: {  	[sflag:s12] =	ssyncadd.s32 $0xFFFFD800  }
0x3b: {  	[tilespmem:s15], [sflag:$0x1] =	stream.indirect.gather [hbm4b:s4+s14], $0x80, s21, s14, $0xb8;
	[tilespmem:$0x1F380] =	vst v63  }
0x3c: {  	_ =	swait.ge [sflag:s18], $0x2800  }
.Ltmp0:
0x3d: {  	[sflag:s18] =	ssyncset.done $0x0;
	(pc) =	sbr.rel @p0 .LBB2_2-.Ltmp0, $4  }
0x3e: {  	s24 =	sadd.s32 $0x2800, s25;
	[sflag:s18] =	ssyncadd.s32 $0xFFFFD800  }
0x3f: {  	[spmem:s2] =	stream.indirect.scatter.add.f32 [tilespmem:s16], [sflag:$0x3], $0x80, s24, s14, $0xb8;
	[tilespmem:$0x1F380] =	vst v63  }
0x40: {  	_ =	swait.ge [sflag:s12], $0x2800  }
0x41: {  	s21 =	sadd.s32 $0xA0, s21;
	[sflag:s12] =	ssyncset.done $0x0  }
0x42: {  	s23 =	sadd.s32 $0xFFFFFFB0, s21;
	[sflag:s12] =	ssyncadd.s32 $0xFFFFD800  }
0x43: {  	[tilespmem:s16], [sflag:$0x2] =	stream.indirect.gather [hbm4b:s4+s14], $0x80, s23, s14, $0xb8;
	[tilespmem:$0x1F380] =	vst v63  }
0x44: {  	_ =	swait.ge [sflag:s17], $0x2800  }
0x45: {  	s22 =	sshra.s32 s22, $0x2;
	[sflag:s17] =	ssyncset.done $0x0  }
0x46: {  	s30 =	sadd.s32 $0x2780, s22;
	[sflag:s17] =	ssyncadd.s32 $0xFFFFD800  }
0x47: {  	[spmem:s2] =	stream.indirect.scatter.add.f32 [tilespmem:s15], [sflag:$0x3], $0x80, s30, s14, $0xb8;
	[tilespmem:$0x1F380] =	vst v63  }
0x48: {  	_ =	swait.ge [sflag:s12], $0x2800  }
0x49: {  	[sflag:s12] =	ssyncset.done $0x0  }
0x4a: {  	[sflag:s12] =	ssyncadd.s32 $0xFFFFD800  }
0x4b: {  	[tilespmem:s15], [sflag:$0x1] =	stream.indirect.gather [hbm4b:s4+s14], $0x80, s21, s14, $0xb8;
	[tilespmem:$0x1F380] =	vst v63  }
0x4c: {  	_ =	swait.ge [sflag:s18], $0x2800  }
0x4d: {  	[sflag:s18] =	ssyncset.done $0x0  }
0x4e: {  	s31 =	sadd.s32 $0x2800, s22;
	[sflag:s18] =	ssyncadd.s32 $0xFFFFD800  }
0x4f: {  	[spmem:s2] =	stream.indirect.scatter.add.f32 [tilespmem:s16], [sflag:$0x3], $0x80, s31, s14, $0xb8;
	[tilespmem:$0x1F380] =	vst v63  }
0x50: {  	_ =	swait.ge [sflag:s12], $0x2800  }
0x51: {  	[sflag:s12] =	ssyncset.done $0x0  }
0x52: {  	[sflag:s12] =	ssyncadd.s32 $0xFFFFD800  }
0x53: {  	_ =	swait.ge [sflag:s17], $0x2800  }
0x54: {  	[sflag:s17] =	ssyncset.done $0x0  }
0x55: {  	[sflag:s17] =	ssyncadd.s32 $0xFFFFD800  }
0x56: {  	[spmem:s2] =	stream.indirect.scatter.add.f32 [tilespmem:s15], [sflag:$0x3], $0x80, s19, s14, $0xb8;
	[tilespmem:$0x1F380] =	vst v63  }
0x57: {  	_ =	swait.ge [sflag:s12], $0x2800  }
0x58: {  	s20 =	sadd.s32 $0x1, s20;
	[sflag:s12] =	ssyncset.done $0x0  }
0x59: {  	p0 =	sne.s32 s20, s10;
	[sflag:s12] =	ssyncadd.s32 $0xFFFFD800  }
.Ltmp1:
0x5a: {  	[bflag:$0x0] =	sbarrier.arrive $0xFFFF;
	(pc) =	sbr.rel @p0 .LBB2_1-.Ltmp1, $4  }
0x5b: {  	[hbm:s9], [sflag:s6] =	dma.local [spmem:s11], $0x2780  }
0x5c: {  	_ =	swait.ge [sflag:s12], $0x2780  }
0x5d: {  	[sflag:s12] =	ssyncset.done $0x0  }
0x5e: {  	[sflag:s12] =	ssyncadd.s32 $0xFFFFD880  }
0x5f: {  	_ =	sfence.sel $0x180000  }
0x60: {  	[bflag:$0x0] =	sbarrier.arrive $0xFFFF  }
0x61: {  	p0 =	sne.s32 s1, $0x0;
	_ =	strace $0x9000004A  }
0x62: {  	s0 =	sadd.s32 @!p0 $0x100000, s0;
	[bflag:$0x2] =	sbarrier.arrive $0xFFFF  }
0x63: {  	[sflag:s0] =	ssyncadd.tile.s32 @!p0 $0x1;
	_ =	shalt  }
.Lfunc_end2:
_tile_overlayer_lowered:
.L_overlay_start_2:
0x64: {  	(tag) =	ssettag $0x2  }
0x65: {  	s0 =	rddreg [dreg:$0x0];
	s2 =	stileid.u32  }
0x66: {  	s1 =	rddreg [dreg:$0x1];
	p0 =	sne.s32 s2, $0x0  }
0x67: {  	s3 =	rddreg [dreg:$0x2];
	[bflag:$0x3] =	sbarrier.arrive $0xFFFF;
	s2 =	simm.s32 @!p0 $0x1C03  }
0x68: {  	[timem:s3], [sflag:s2] =	dma.local @!p0 [hbm:s0], s1  }
0x69: {  	s0 =	simm.s32 @!p0 $0x3  }
0x6a: {  	_ =	swait.ge @!p0 [sflag:s0], s1  }
0x6b: {  	s1 =	ssub.s32 @!p0 $0x0, s1;
	[sflag:s0] =	ssyncset.done @!p0 $0x0  }
0x6c: {  	[sflag:s0] =	ssyncadd.s32 @!p0 s1  }
0x6d: {  	[bflag:$0x3] =	sbarrier.arrive $0xFFFF  }
0x6e: {  	_ =	shalt  }

// kernel: kernel.17.cloned.1.call-start
scs
__scs_entry_jumppad:
0x0: {  	(pc) =	sbr.rel $0x88, $3  }
0x1: {  	(tag) =	ssettag $0x0;
	lr =	simm.s32 $0x1  }
0x2: {  	[smem:$0x3F97] =	sst lr;
	_ =	strace $0xD0000000  }
0x3: {  	_ = 	snop  }
0x4: {  	_ = 	snop  }
0x5: {  	_ = 	snop  }
0x6: {  	_ = 	snop  }
0x7: {  	_ = 	snop  }
__scs_overlays_trampoline_lowered:
0x8: {  	[smem:$0x3FA6] =	sst s0  }
0x9: {  	[smem:$0x3FA7] =	sst s1  }
0xa: {  	[smem:$0x3FA8] =	sst s2  }
0xb: {  	[smem:$0x3FA9] =	sst s3  }
0xc: {  	[smem:$0x3FAA] =	sst s4  }
0xd: {  	[smem:$0x3FAB] =	sst s5  }
0xe: {  	[smem:$0x3FAC] =	sst s6  }
0xf: {  	[smem:$0x3FAD] =	sst s7  }
0x10: {  	[smem:$0x3FAE] =	sst s8  }
0x11: {  	[smem:$0x3FAF] =	sst s9;
	s0 =	simm.s32 @!p0 $0x0  }
0x12: {  	s1 =	sld [smem:$0x3F95];
	s0 =	simm.s32 @p0 $0x1  }
0x13: {  	[smem:$0x3FB0] =	sst s0;
	s0 =	simm.s32 @!p1 $0x0  }
0x14: {  	s2 =	sld [smem:$0x3F94];
	s0 =	simm.s32 @p1 $0x1  }
0x15: {  	[smem:$0x3FB1] =	sst s0;
	s0 =	simm.s32 @!p2 $0x0  }
0x16: {  	s3 =	sld [smem:$0x3FDB];
	s0 =	simm.s32 @p2 $0x1  }
0x17: {  	s4 =	simm.s32 $0x1BF5;
	[smem:$0x3FB3] =	sst s0  }
0x18: {  	s0 =	sld [smem:$0x3F96];
	_ =	swait.ge [sflag:s4], $0x0  }
0x19: {  	s7 =	sld [smem:$0x3F97]  }
0x1a: {  	s8 =	sadd.s32 $0xFFFFE003, lr  }
0x1b: {  	s9 =	sadd.s32 $0xFFFFFEF7, lr;
	s5 =	simm.s32 $0xFFFFFFFF;
	p2 =	slt.u32 s8, $0xFFFFF086  }
0x1c: {  	p1 =	slt.u32 s9, $0xF7A;
	s5 =	simm.s32 @!p2 $0x0  }
0x1d: {  	s5 =	simm.s32 @p1 $0x1;
	p0 =	seq.s32 s7, s2  }
0x1e: {  	s7 =	smul.u32 @!p0 $0xF7A, s2;
	p2 =	seq.s32 @!p0 s5, $0x0  }
0x1f: {  	s9 =	smul.u32 $0xF7A, s1;
	s8 =	simm.s32 @!p0 $0x1BF5;
	p2 =	por !p2, p0  }
0x20: {  	[sflag:s8] =	ssyncset.s32 @!p0 $0xFFFFF086;
	s6 =	sadd.s32 @!p0 s3, s7;
	s7 =	simm.s32 @!p0 $0x108  }
0x21: {  	s3 =	sadd.s32 s3, s9;
	s6 =	sadd.s32 @!p0 $0x88, s6;
	s7 =	simm.s32 @p2 $0x1082  }
0x22: {  	[simem:s7], [sflag:s8] =	dma.local @!p0 [hbm:s6], $0xF7A  }
0x23: {  	s9 =	sor.u32 $0xD0000000, s2;
	s6 =	simm.s32 $0x108;
	_ =	swait.ge @!p0 [sflag:s8], $0x0  }
0x24: {  	s3 =	sadd.s32 $0x88, s3;
	s6 =	simm.s32 @!p1 $0x1082;
	[sflag:s4] =	ssyncset.s32 $0xFFFFF086  }
0x25: {  	[simem:s6], [sflag:s4] =	dma.local [hbm:s3], $0xF7A  }
0x26: {  	[smem:$0x3F97] =	sst s1;
	(tag) =	ssettag s2;
	_ =	strace s9  }
0x27: {  	s1 =	sld [smem:$0x3FA7]  }
0x28: {  	s2 =	sld [smem:$0x3FA8]  }
0x29: {  	s4 =	sld [smem:$0x3FAA]  }
0x2a: {  	p0 =	seq.s32 s5, $0x0;
	s5 =	sld [smem:$0x3FAB]  }
0x2b: {  	s6 =	sld [smem:$0x3FAC]  }
0x2c: {  	s7 =	sld [smem:$0x3FAD]  }
0x2d: {  	s3 =	simm.s32 $0x108;
	s8 =	sld [smem:$0x3FAE]  }
0x2e: {  	s3 =	simm.s32 @!p0 $0x1082;
	s9 =	sld [smem:$0x3FAF]  }
0x2f: {  	lr =	sadd.s32 s0, s3;
	s0 =	sld [smem:$0x3FA6]  }
0x30: {  	s3 =	sld [smem:$0x3FA9]  }
0x31: {  	[smem:$0x3FB2] =	sst s10  }
0x32: {  	s10 =	sld [smem:$0x3FB0];
	_ =	sdelay $0x3  }
0x33: {  	p0 =	seq.s32 s10, $0x1;
	s10 =	sld [smem:$0x3FB2];
	_ =	sdelay $0x3  }
0x34: {  	[smem:$0x3FB2] =	sst s10  }
0x35: {  	s10 =	sld [smem:$0x3FB1];
	_ =	sdelay $0x3  }
0x36: {  	p1 =	seq.s32 s10, $0x1;
	s10 =	sld [smem:$0x3FB2];
	_ =	sdelay $0x3  }
0x37: {  	[smem:$0x3FB2] =	sst s10  }
0x38: {  	s10 =	sld [smem:$0x3FB3]  }
0x39: {  	_ = 	snop;
	(pc) =	sbr.ind lr, $3  }
0x3a: {  	_ = 	snop  }
0x3b: {  	_ = 	snop  }
0x3c: {  	p2 =	seq.s32 s10, $0x1;
	s10 =	sld [smem:$0x3FB2]  }
0x3d: {  	_ =	shalt  }
0x3e: {  	_ =	shalt  }
0x3f: {  	_ =	shalt  }
0x40: {  	_ =	shalt  }
0x41: {  	_ =	shalt  }
0x42: {  	_ =	shalt  }
0x43: {  	_ =	shalt  }
0x44: {  	_ =	shalt  }
0x45: {  	_ =	shalt  }
0x46: {  	_ =	shalt  }
0x47: {  	_ =	shalt  }
0x48: {  	_ =	shalt  }
0x49: {  	_ =	shalt  }
0x4a: {  	_ =	shalt  }
0x4b: {  	_ =	shalt  }
0x4c: {  	_ =	shalt  }
0x4d: {  	_ =	shalt  }
0x4e: {  	_ =	shalt  }
0x4f: {  	_ =	shalt  }
0x50: {  	_ =	shalt  }
0x51: {  	_ =	shalt  }
0x52: {  	_ =	shalt  }
0x53: {  	_ =	shalt  }
0x54: {  	_ =	shalt  }
0x55: {  	_ =	shalt  }
0x56: {  	_ =	shalt  }
0x57: {  	_ =	shalt  }
0x58: {  	_ =	shalt  }
0x59: {  	_ =	shalt  }
0x5a: {  	_ =	shalt  }
0x5b: {  	_ =	shalt  }
0x5c: {  	_ =	shalt  }
0x5d: {  	_ =	shalt  }
0x5e: {  	_ =	shalt  }
0x5f: {  	_ =	shalt  }
0x60: {  	_ =	shalt  }
0x61: {  	_ =	shalt  }
0x62: {  	_ =	shalt  }
0x63: {  	_ =	shalt  }
0x64: {  	_ =	shalt  }
0x65: {  	_ =	shalt  }
0x66: {  	_ =	shalt  }
0x67: {  	_ =	shalt  }
0x68: {  	_ =	shalt  }
0x69: {  	_ =	shalt  }
0x6a: {  	_ =	shalt  }
0x6b: {  	_ =	shalt  }
0x6c: {  	_ =	shalt  }
0x6d: {  	_ =	shalt  }
0x6e: {  	_ =	shalt  }
0x6f: {  	_ =	shalt  }
0x70: {  	_ =	shalt  }
0x71: {  	_ =	shalt  }
0x72: {  	_ =	shalt  }
0x73: {  	_ =	shalt  }
0x74: {  	_ =	shalt  }
0x75: {  	_ =	shalt  }
0x76: {  	_ =	shalt  }
0x77: {  	_ =	shalt  }
0x78: {  	_ =	shalt  }
0x79: {  	_ =	shalt  }
0x7a: {  	_ =	shalt  }
0x7b: {  	_ =	shalt  }
0x7c: {  	_ =	shalt  }
0x7d: {  	_ =	shalt  }
0x7e: {  	_ =	shalt  }
0x7f: {  	_ =	shalt  }
0x80: {  	_ =	shalt  }
0x81: {  	_ =	shalt  }
0x82: {  	_ =	shalt  }
0x83: {  	_ =	shalt  }
0x84: {  	_ =	shalt  }
0x85: {  	_ =	shalt  }
0x86: {  	_ =	shalt  }
0x87: {  	_ =	shalt  }
.Lfunc_end0:
.L_simem_size_0:
called_computation.2_lowered:
.L_overlay_start_0:
0x88: {  	s2 =	sld [smem:$0x3FD9]  }
0x89: {  	s3 =	sld [smem:$0x3FFE];
	_ =	sdelay $0x1  }
0x8a: {  	s1 =	srdreg.scid  }
0x8b: {  	s0 =	sand.u32 $0x1, s1  }
0x8c: {  	s14 =	sshll.u32 s0, $0xA;
	s2 =	sadd.s32 s3, s2  }
0x8d: {  	s2 =	sadd.s32 s2, s14  }
0x8e: {  	[smem:$0x3FBE] =	sst s2  }
0x8f: {  	_ = 	snop  }
0x90: {  	s2 =	sld [smem:$0x3FD0];
	_ =	sdelay $0x2  }
0x91: {  	s15 =	simm.s32 $0xA;
	s4 =	simm.s32 $0x10  }
0x92: {  	[smem:s4], [sflag:s15] =	dma.local [hbm:s2], $0x1  }
0x93: {  	_ =	swait.eq [sflag:s15], $0x1  }
0x94: {  	[sflag:s15] =	ssyncset.done $0x0  }
0x95: {  	s16 =	sld [smem:$0x10];
	[sflag:s15] =	ssyncadd.s32 $0xFFFFFFFF  }
0x96: {  	s17 =	sld [smem:$0x11];
	(tm) =	ssettm $0x1  }
0x97: {  	s18 =	sld [smem:$0x3FFB];
	_ =	sdelay $0x3  }
0x98: {  	_ =	strace s18  }
0x99: {  	s4 =	sld [smem:$0x3FFC];
	_ =	sdelay $0x3  }
0x9a: {  	_ =	strace s4  }
0x9b: {  	s4 =	sld [smem:$0x3FFD];
	_ =	sdelay $0x3  }
0x9c: {  	_ =	strace s4  }
0x9d: {  	_ =	strace $0x8FFFFFFF  }
0x9e: {  	s19 =	sld [smem:$0x3FDB];
	_ =	sdelay $0x1  }
0x9f: {  	s5 =	simm.s32 $_scs_section_size  }
0xa0: {  	s6 =	simm.s32 $_size__tile_overlayer_lowered;
	s7 =	simm.s32 $_tile_overlayer_lowered  }
0xa1: {  	s22 =	simm.s32 $0x1BFF;
	s21 =	sshll.u32 s7, $0x1;
	s4 =	sadd.s32 s5, s19  }
0xa2: {  	s8 =	simm.s32 $0x0;
	s20 =	sshll.u32 s6, $0x1;
	s6 =	sadd.s32 s21, s4  }
0xa3: {  	[timem:s8], [sflag:s22] =	dma.local [hbm:s6], s20  }
0xa4: {  	_ =	swait.ge [sflag:s22], s20  }
0xa5: {  	s5 =	ssub.s32 $0x0, s20;
	[sflag:s22] =	ssyncset.done $0x0  }
0xa6: {  	[sflag:s22] =	ssyncadd.s32 s5;
	_ =	sdelay $0x1  }
0xa7: {  	s23 =	simm.s32 $0x1B8B  }
0xa8: {  	_ =	swait.ge [sflag:s23], $0x1  }
0xa9: {  	[sflag:s23] =	ssyncset.done $0x0  }
0xaa: {  	s25 =	simm.s32 $0x1B8E;
	s24 =	sld [smem:$0x3FFE];
	[sflag:s23] =	ssyncadd.s32 $0xFFFFFFFF  }
0xab: {  	s26 =	simm.s32 $execute0_lowered;
	[smem:$0x3FD2] =	sst s25  }
0xac: {  	s6 =	sshll.u32 s26, $0x1;
	_ =	strace $0x8000004C;
	[dreg:$0x1] =	wrdreg $0xFFFFFFFF  }
0xad: {  	s28 =	simm.s32 $_size_execute0_lowered;
	s4 =	sadd.s32 s4, s6;
	[dreg:$0x0] =	wrdreg $0x0  }
0xae: {  	s6 =	sshll.u32 s28, $0x1;
	[dreg:$0x2] =	wrdreg s4  }
0xaf: {  	[dreg:$0x3] =	wrdreg s6  }
0xb0: {  	[dreg:$0x4] =	wrdreg $0xC0  }
0xb1: {  	_ =	task [dreg:s8], $0x5FFFF  }
0xb2: {  	[dreg:$0x1] =	wrdreg $0xFFFFFFFF  }
0xb3: {  	[dreg:$0x0] =	wrdreg $0x60  }
0xb4: {  	[dreg:$0x2] =	wrdreg s24  }
0xb5: {  	[dreg:$0x3] =	wrdreg s16  }
0xb6: {  	[dreg:$0x4] =	wrdreg s17  }
0xb7: {  	[dreg:$0x5] =	wrdreg $0xB7800  }
0xb8: {  	[dreg:$0x6] =	wrdreg $0x9  }
0xb9: {  	_ =	task.clear_ibuf [dreg:s8], $0x7FFFF;
	_ =	strace $0x9000004C  }
0xba: {  	s29 =	simm.s32 $0x9;
	_ =	strace $0x8000004E  }
0xbb: {  	_ =	swait.ge [sflag:s29], $0x1  }
0xbc: {  	[sflag:s29] =	ssyncadd.s32 $0xFFFFFFFF  }
0xbd: {  	_ =	strace $0x9000004E  }
0xbe: {  	_ =	sfence  }
0xbf: {  	s30 =	sld [smem:$0x0];
	_ =	sdelay $0x2  }
0xc0: {  	s31 =	sshll.u32 s1, $0xD;
	s1 =	sshrl.u32 s1, $0x2  }
0xc1: {  	s3 =	sand.u32 $0x4000, s31;
	s1 =	sadd.s32 s1, s30  }
0xc2: {  	s0 =	sor.u32 s3, s0;
	s1 =	sshll.u32 s1, $0x11  }
0xc3: {  	s0 =	sor.u32 s1, s0  }
0xc4: {  	s0 =	sadd.s32 $0x8F2B, s0  }
0xc5: {  	[sflag:s0] =	ssyncadd.remote.s32 $0x1  }
0xc6: {  	_ =	sfence.sel $0xFFFF  }
0xc7: {  	[dreg:$0x0] =	wrdreg $0xFFFFFFFF;
	(pc) =	sbr.abs _section_cstart, $3  }
0xc8: {  	[dreg:$0x1] =	wrdreg $0xFFFFFFFF  }
0xc9: {  	_ =	task.clear_ibuf [dreg:s8], $0x2FFFF;
	_ =	strace $0x9FFFFFFF  }
0xca: {  	(tm) =	ssettm $0x7FFFFFFF  }
0xcb: {  	_ =	shalt  }
tec
execute0_lowered:
.L_overlay_start_1:
0x0: {  	(tag) =	ssettag $0x1  }
0x1: {  	s5 =	rddreg [dreg:$0x0]  }
0x2: {  	s7 =	rddreg [dreg:$0x1]  }
0x3: {  	s8 =	rddreg [dreg:$0x2]  }
0x4: {  	s2 =	rddreg [dreg:$0x3]  }
0x5: {  	s0 =	rddreg [dreg:$0x4]  }
0x6: {  	s1 =	stileid.u32;
	s4 =	srdreg.scid  }
0x7: {  	s3 =	simm.s32 $0x0;
	s15 =	simm.s32 $0x6780;
	s16 =	simm.s32 $0x8F80  }
0x8: {  	s17 =	simm.s32 $0x1;
	s18 =	simm.s32 $0x2;
	s19 =	simm.s32 $0x6580  }
0x9: {  	s20 =	simm.s32 $0x0;
	s6 =	smul.u32 $0x13C00, s1;
	s9 =	sand.u32 $0x1, s4  }
0xa: {  	[smem:$0x7FF] =	sst s3;
	s4 =	sadd.s32 $0x2A800, s5;
	s23 =	smul.u32 $0x4F000, s1  }
0xb: {  	s25 =	sshll.u32 s1, $0x1;
	s31 =	sshll.u32 s1, $0x6;
	s10 =	smul.u32 $0x13C000, s9  }
0xc: {  	_ =	strace $0x8000004D;
	s24 =	ssub.s32 $0x2, s9;
	s11 =	sshrl.u32 s6, $0x3  }
0xd: {  	s13 =	sshrl.u32 s24, $0x1;
	s26 =	sshrl.u32 s23, $0x2;
	s6 =	sadd.s32 s6, s10  }
0xe: {  	s22 =	sadd.s32 s11, s5;
	s28 =	ssub.s32 s24, s13;
	s29 =	sadd.s32 s26, s2  }
0xf: {  	s13 =	simm.s32 $0x2780;
	s6 =	sshrl.u32 s6, $0x3;
	s10 =	smax.u32 s28, $0x1  }
0x10: {  	s11 =	sshrl.u32 s29, $0x3;
	s12 =	sadd.s32 s6, s5;
	s6 =	sor.u32 s9, s25  }
0x11: {  	s5 =	sadd.s32 $0x3000, s22;
	s30 =	smul.u32 $0x4E2, s6;
	s14 =	sshll.u32 s6, $0xB  }
0x12: {  	s6 =	sor.u32 $0x1C03, s31;
	s9 =	sadd.s32 $0x51A00, s12;
	s12 =	simm.s32 $0x3  }
0x13: {  	s8 =	sadd.s32 s8, s14;
	s14 =	simm.s32 $0x50;
	s7 =	sadd.s32 s7, s30  }
.LBB2_1:
0x14: {  	[spmem:s11], [sflag:s6] =	dma.local [hbm:s5], $0x2780  }
0x15: {  	_ =	swait.ge [sflag:s12], $0x2780  }
0x16: {  	[sflag:s12] =	ssyncset.done $0x0  }
0x17: {  	[sflag:s12] =	ssyncadd.s32 $0xFFFFD880  }
0x18: {  	[tilespmem:s3], [sflag:$0x3] =	stream.linear.gather [hbm4b:s7+s3], $0x2710, $0x38;
	[tilespmem:$0x1F380] =	vst v63  }
0x19: {  	_ =	swait.ge [sflag:s12], $0x2710  }
0x1a: {  	[sflag:s12] =	ssyncset.done $0x0  }
0x1b: {  	[sflag:s12] =	ssyncadd.s32 $0xFFFFD8F0  }
0x1c: {  	[tilespmem:s13], [sflag:$0x3] =	stream.linear.gather [hbm4b:s8+s3], $0x3E80, $0x38;
	[tilespmem:$0x1F380] =	vst v63  }
0x1d: {  	_ =	swait.ge [sflag:s12], $0x3E80  }
0x1e: {  	[sflag:s12] =	ssyncset.done $0x0  }
0x1f: {  	[sflag:s12] =	ssyncadd.s32 $0xFFFFC180  }
0x20: {  	[bflag:$0x0] =	sbarrier.arrive $0xFFFF  }
0x21: {  	[tilespmem:s15], [sflag:$0x1] =	stream.indirect.gather [hbm4b:s4+s14], $0x80, s3, s14, $0xb8;
	[tilespmem:$0x1F380] =	vst v63  }
0x22: {  	s21 =	simm.s32 $0x50  }
0x23: {  	[tilespmem:s16], [sflag:$0x2] =	stream.indirect.gather [hbm4b:s4+s14], $0x80, s21, s14, $0xb8;
	[tilespmem:$0x1F380] =	vst v63  }
0x24: {  	_ =	swait.ge [sflag:s17], $0x2800  }
0x25: {  	[sflag:s17] =	ssyncset.done $0x0  }
0x26: {  	s29 =	simm.s32 $0x2780;
	[sflag:s17] =	ssyncadd.s32 $0xFFFFD800  }
0x27: {  	[spmem:s2] =	stream.indirect.scatter.add.f32 [tilespmem:s15], [sflag:$0x3], $0x80, s29, s14, $0xb8;
	[tilespmem:$0x1F380] =	vst v63  }
0x28: {  	_ =	swait.ge [sflag:s12], $0x2800  }
0x29: {  	[sflag:s12] =	ssyncset.done $0x0  }
0x2a: {  	s30 =	simm.s32 $0xA0;
	[sflag:s12] =	ssyncadd.s32 $0xFFFFD800  }
0x2b: {  	[tilespmem:s15], [sflag:$0x1] =	stream.indirect.gather [hbm4b:s4+s14], $0x80, s30, s14, $0xb8;
	[tilespmem:$0x1F380] =	vst v63  }
0x2c: {  	_ =	swait.ge [sflag:s18], $0x2800  }
0x2d: {  	[sflag:s18] =	ssyncset.done $0x0  }
0x2e: {  	s31 =	simm.s32 $0x2800;
	[sflag:s18] =	ssyncadd.s32 $0xFFFFD800  }
0x2f: {  	[spmem:s2] =	stream.indirect.scatter.add.f32 [tilespmem:s16], [sflag:$0x3], $0x80, s31, s14, $0xb8;
	[tilespmem:$0x1F380] =	vst v63  }
0x30: {  	s22 =	simm.s32 $0x400;
	_ =	swait.ge [sflag:s12], $0x2800  }
0x31: {  	s23 =	simm.s32 $0x800;
	s21 =	simm.s32 $0x140;
	[sflag:s12] =	ssyncset.done $0x0  }
.LBB2_2:
0x32: {  	p0 =	sne.s32 s23, $0xF400;
	s24 =	sadd.s32 $0xFFFFFFB0, s21;
	[sflag:s12] =	ssyncadd.s32 $0xFFFFD800  }
0x33: {  	[tilespmem:s16], [sflag:$0x2] =	stream.indirect.gather [hbm4b:s4+s14], $0x80, s24, s14, $0xb8;
	[tilespmem:$0x1F380] =	vst v63  }
0x34: {  	s24 =	smov.u32 s23;
	s23 =	sadd.s32 $0x400, s23;
	_ =	swait.ge [sflag:s17], $0x2800  }
0x35: {  	s25 =	sshra.s32 s22, $0x2;
	s22 =	smov.u32 s24;
	[sflag:s17] =	ssyncset.done $0x0  }
0x36: {  	s24 =	sadd.s32 $0x2780, s25;
	[sflag:s17] =	ssyncadd.s32 $0xFFFFD800  }
0x37: {  	[spmem:s2] =	stream.indirect.scatter.add.f32 [tilespmem:s15], [sflag:$0x3], $0x80, s24, s14, $0xb8;
	[tilespmem:$0x1F380] =	vst v63  }
0x38: {  	_ =	swait.ge [sflag:s12], $0x2800  }
0x39: {  	[sflag:s12] =	ssyncset.done $0x0  }
0x3a: {  	[sflag:s12] =	ssyncadd.s32 $0xFFFFD800  }
0x3b: {  	[tilespmem:s15], [sflag:$0x1] =	stream.indirect.gather [hbm4b:s4+s14], $0x80, s21, s14, $0xb8;
	[tilespmem:$0x1F380] =	vst v63  }
0x3c: {  	_ =	swait.ge [sflag:s18], $0x2800  }
.Ltmp0:
0x3d: {  	[sflag:s18] =	ssyncset.done $0x0;
	(pc) =	sbr.rel @p0 .LBB2_2-.Ltmp0, $4  }
0x3e: {  	s24 =	sadd.s32 $0x2800, s25;
	[sflag:s18] =	ssyncadd.s32 $0xFFFFD800  }
0x3f: {  	[spmem:s2] =	stream.indirect.scatter.add.f32 [tilespmem:s16], [sflag:$0x3], $0x80, s24, s14, $0xb8;
	[tilespmem:$0x1F380] =	vst v63  }
0x40: {  	_ =	swait.ge [sflag:s12], $0x2800  }
0x41: {  	s21 =	sadd.s32 $0xA0, s21;
	[sflag:s12] =	ssyncset.done $0x0  }
0x42: {  	s23 =	sadd.s32 $0xFFFFFFB0, s21;
	[sflag:s12] =	ssyncadd.s32 $0xFFFFD800  }
0x43: {  	[tilespmem:s16], [sflag:$0x2] =	stream.indirect.gather [hbm4b:s4+s14], $0x80, s23, s14, $0xb8;
	[tilespmem:$0x1F380] =	vst v63  }
0x44: {  	_ =	swait.ge [sflag:s17], $0x2800  }
0x45: {  	s22 =	sshra.s32 s22, $0x2;
	[sflag:s17] =	ssyncset.done $0x0  }
0x46: {  	s30 =	sadd.s32 $0x2780, s22;
	[sflag:s17] =	ssyncadd.s32 $0xFFFFD800  }
0x47: {  	[spmem:s2] =	stream.indirect.scatter.add.f32 [tilespmem:s15], [sflag:$0x3], $0x80, s30, s14, $0xb8;
	[tilespmem:$0x1F380] =	vst v63  }
0x48: {  	_ =	swait.ge [sflag:s12], $0x2800  }
0x49: {  	[sflag:s12] =	ssyncset.done $0x0  }
0x4a: {  	[sflag:s12] =	ssyncadd.s32 $0xFFFFD800  }
0x4b: {  	[tilespmem:s15], [sflag:$0x1] =	stream.indirect.gather [hbm4b:s4+s14], $0x80, s21, s14, $0xb8;
	[tilespmem:$0x1F380] =	vst v63  }
0x4c: {  	_ =	swait.ge [sflag:s18], $0x2800  }
0x4d: {  	[sflag:s18] =	ssyncset.done $0x0  }
0x4e: {  	s31 =	sadd.s32 $0x2800, s22;
	[sflag:s18] =	ssyncadd.s32 $0xFFFFD800  }
0x4f: {  	[spmem:s2] =	stream.indirect.scatter.add.f32 [tilespmem:s16], [sflag:$0x3], $0x80, s31, s14, $0xb8;
	[tilespmem:$0x1F380] =	vst v63  }
0x50: {  	_ =	swait.ge [sflag:s12], $0x2800  }
0x51: {  	[sflag:s12] =	ssyncset.done $0x0  }
0x52: {  	[sflag:s12] =	ssyncadd.s32 $0xFFFFD800  }
0x53: {  	_ =	swait.ge [sflag:s17], $0x2800  }
0x54: {  	[sflag:s17] =	ssyncset.done $0x0  }
0x55: {  	[sflag:s17] =	ssyncadd.s32 $0xFFFFD800  }
0x56: {  	[spmem:s2] =	stream.indirect.scatter.add.f32 [tilespmem:s15], [sflag:$0x3], $0x80, s19, s14, $0xb8;
	[tilespmem:$0x1F380] =	vst v63  }
0x57: {  	_ =	swait.ge [sflag:s12], $0x2800  }
0x58: {  	s20 =	sadd.s32 $0x1, s20;
	[sflag:s12] =	ssyncset.done $0x0  }
0x59: {  	p0 =	sne.s32 s20, s10;
	[sflag:s12] =	ssyncadd.s32 $0xFFFFD800  }
.Ltmp1:
0x5a: {  	[bflag:$0x0] =	sbarrier.arrive $0xFFFF;
	(pc) =	sbr.rel @p0 .LBB2_1-.Ltmp1, $4  }
0x5b: {  	[hbm:s9], [sflag:s6] =	dma.local [spmem:s11], $0x2780  }
0x5c: {  	_ =	swait.ge [sflag:s12], $0x2780  }
0x5d: {  	[sflag:s12] =	ssyncset.done $0x0  }
0x5e: {  	[sflag:s12] =	ssyncadd.s32 $0xFFFFD880  }
0x5f: {  	_ =	sfence.sel $0x180000  }
0x60: {  	[bflag:$0x0] =	sbarrier.arrive $0xFFFF  }
0x61: {  	p0 =	sne.s32 s1, $0x0;
	_ =	strace $0x9000004D  }
0x62: {  	s0 =	sadd.s32 @!p0 $0x100000, s0;
	[bflag:$0x2] =	sbarrier.arrive $0xFFFF  }
0x63: {  	[sflag:s0] =	ssyncadd.tile.s32 @!p0 $0x1;
	_ =	shalt  }
.Lfunc_end2:
_tile_overlayer_lowered:
.L_overlay_start_2:
0x64: {  	(tag) =	ssettag $0x2  }
0x65: {  	s0 =	rddreg [dreg:$0x0];
	s2 =	stileid.u32  }
0x66: {  	s1 =	rddreg [dreg:$0x1];
	p0 =	sne.s32 s2, $0x0  }
0x67: {  	s3 =	rddreg [dreg:$0x2];
	[bflag:$0x3] =	sbarrier.arrive $0xFFFF;
	s2 =	simm.s32 @!p0 $0x1C03  }
0x68: {  	[timem:s3], [sflag:s2] =	dma.local @!p0 [hbm:s0], s1  }
0x69: {  	s0 =	simm.s32 @!p0 $0x3  }
0x6a: {  	_ =	swait.ge @!p0 [sflag:s0], s1  }
0x6b: {  	s1 =	ssub.s32 @!p0 $0x0, s1;
	[sflag:s0] =	ssyncset.done @!p0 $0x0  }
0x6c: {  	[sflag:s0] =	ssyncadd.s32 @!p0 s1  }
0x6d: {  	[bflag:$0x3] =	sbarrier.arrive $0xFFFF  }
0x6e: {  	_ =	shalt  }

// kernel: kernel.20.cloned.1.call-start
scs
__scs_entry_jumppad:
0x0: {  	(pc) =	sbr.rel $0x88, $3  }
0x1: {  	(tag) =	ssettag $0x0;
	lr =	simm.s32 $0x1  }
0x2: {  	[smem:$0x3F97] =	sst lr;
	_ =	strace $0xD0000000  }
0x3: {  	_ = 	snop  }
0x4: {  	_ = 	snop  }
0x5: {  	_ = 	snop  }
0x6: {  	_ = 	snop  }
0x7: {  	_ = 	snop  }
__scs_overlays_trampoline_lowered:
0x8: {  	[smem:$0x3FA6] =	sst s0  }
0x9: {  	[smem:$0x3FA7] =	sst s1  }
0xa: {  	[smem:$0x3FA8] =	sst s2  }
0xb: {  	[smem:$0x3FA9] =	sst s3  }
0xc: {  	[smem:$0x3FAA] =	sst s4  }
0xd: {  	[smem:$0x3FAB] =	sst s5  }
0xe: {  	[smem:$0x3FAC] =	sst s6  }
0xf: {  	[smem:$0x3FAD] =	sst s7  }
0x10: {  	[smem:$0x3FAE] =	sst s8  }
0x11: {  	[smem:$0x3FAF] =	sst s9;
	s0 =	simm.s32 @!p0 $0x0  }
0x12: {  	s1 =	sld [smem:$0x3F95];
	s0 =	simm.s32 @p0 $0x1  }
0x13: {  	[smem:$0x3FB0] =	sst s0;
	s0 =	simm.s32 @!p1 $0x0  }
0x14: {  	s2 =	sld [smem:$0x3F94];
	s0 =	simm.s32 @p1 $0x1  }
0x15: {  	[smem:$0x3FB1] =	sst s0;
	s0 =	simm.s32 @!p2 $0x0  }
0x16: {  	s3 =	sld [smem:$0x3FDB];
	s0 =	simm.s32 @p2 $0x1  }
0x17: {  	s4 =	simm.s32 $0x1BF5;
	[smem:$0x3FB3] =	sst s0  }
0x18: {  	s0 =	sld [smem:$0x3F96];
	_ =	swait.ge [sflag:s4], $0x0  }
0x19: {  	s7 =	sld [smem:$0x3F97]  }
0x1a: {  	s8 =	sadd.s32 $0xFFFFE003, lr  }
0x1b: {  	s9 =	sadd.s32 $0xFFFFFEF7, lr;
	s5 =	simm.s32 $0xFFFFFFFF;
	p2 =	slt.u32 s8, $0xFFFFF086  }
0x1c: {  	p1 =	slt.u32 s9, $0xF7A;
	s5 =	simm.s32 @!p2 $0x0  }
0x1d: {  	s5 =	simm.s32 @p1 $0x1;
	p0 =	seq.s32 s7, s2  }
0x1e: {  	s7 =	smul.u32 @!p0 $0xF7A, s2;
	p2 =	seq.s32 @!p0 s5, $0x0  }
0x1f: {  	s9 =	smul.u32 $0xF7A, s1;
	s8 =	simm.s32 @!p0 $0x1BF5;
	p2 =	por !p2, p0  }
0x20: {  	[sflag:s8] =	ssyncset.s32 @!p0 $0xFFFFF086;
	s6 =	sadd.s32 @!p0 s3, s7;
	s7 =	simm.s32 @!p0 $0x108  }
0x21: {  	s3 =	sadd.s32 s3, s9;
	s6 =	sadd.s32 @!p0 $0x88, s6;
	s7 =	simm.s32 @p2 $0x1082  }
0x22: {  	[simem:s7], [sflag:s8] =	dma.local @!p0 [hbm:s6], $0xF7A  }
0x23: {  	s9 =	sor.u32 $0xD0000000, s2;
	s6 =	simm.s32 $0x108;
	_ =	swait.ge @!p0 [sflag:s8], $0x0  }
0x24: {  	s3 =	sadd.s32 $0x88, s3;
	s6 =	simm.s32 @!p1 $0x1082;
	[sflag:s4] =	ssyncset.s32 $0xFFFFF086  }
0x25: {  	[simem:s6], [sflag:s4] =	dma.local [hbm:s3], $0xF7A  }
0x26: {  	[smem:$0x3F97] =	sst s1;
	(tag) =	ssettag s2;
	_ =	strace s9  }
0x27: {  	s1 =	sld [smem:$0x3FA7]  }
0x28: {  	s2 =	sld [smem:$0x3FA8]  }
0x29: {  	s4 =	sld [smem:$0x3FAA]  }
0x2a: {  	p0 =	seq.s32 s5, $0x0;
	s5 =	sld [smem:$0x3FAB]  }
0x2b: {  	s6 =	sld [smem:$0x3FAC]  }
0x2c: {  	s7 =	sld [smem:$0x3FAD]  }
0x2d: {  	s3 =	simm.s32 $0x108;
	s8 =	sld [smem:$0x3FAE]  }
0x2e: {  	s3 =	simm.s32 @!p0 $0x1082;
	s9 =	sld [smem:$0x3FAF]  }
0x2f: {  	lr =	sadd.s32 s0, s3;
	s0 =	sld [smem:$0x3FA6]  }
0x30: {  	s3 =	sld [smem:$0x3FA9]  }
0x31: {  	[smem:$0x3FB2] =	sst s10  }
0x32: {  	s10 =	sld [smem:$0x3FB0];
	_ =	sdelay $0x3  }
0x33: {  	p0 =	seq.s32 s10, $0x1;
	s10 =	sld [smem:$0x3FB2];
	_ =	sdelay $0x3  }
0x34: {  	[smem:$0x3FB2] =	sst s10  }
0x35: {  	s10 =	sld [smem:$0x3FB1];
	_ =	sdelay $0x3  }
0x36: {  	p1 =	seq.s32 s10, $0x1;
	s10 =	sld [smem:$0x3FB2];
	_ =	sdelay $0x3  }
0x37: {  	[smem:$0x3FB2] =	sst s10  }
0x38: {  	s10 =	sld [smem:$0x3FB3]  }
0x39: {  	_ = 	snop;
	(pc) =	sbr.ind lr, $3  }
0x3a: {  	_ = 	snop  }
0x3b: {  	_ = 	snop  }
0x3c: {  	p2 =	seq.s32 s10, $0x1;
	s10 =	sld [smem:$0x3FB2]  }
0x3d: {  	_ =	shalt  }
0x3e: {  	_ =	shalt  }
0x3f: {  	_ =	shalt  }
0x40: {  	_ =	shalt  }
0x41: {  	_ =	shalt  }
0x42: {  	_ =	shalt  }
0x43: {  	_ =	shalt  }
0x44: {  	_ =	shalt  }
0x45: {  	_ =	shalt  }
0x46: {  	_ =	shalt  }
0x47: {  	_ =	shalt  }
0x48: {  	_ =	shalt  }
0x49: {  	_ =	shalt  }
0x4a: {  	_ =	shalt  }
0x4b: {  	_ =	shalt  }
0x4c: {  	_ =	shalt  }
0x4d: {  	_ =	shalt  }
0x4e: {  	_ =	shalt  }
0x4f: {  	_ =	shalt  }
0x50: {  	_ =	shalt  }
0x51: {  	_ =	shalt  }
0x52: {  	_ =	shalt  }
0x53: {  	_ =	shalt  }
0x54: {  	_ =	shalt  }
0x55: {  	_ =	shalt  }
0x56: {  	_ =	shalt  }
0x57: {  	_ =	shalt  }
0x58: {  	_ =	shalt  }
0x59: {  	_ =	shalt  }
0x5a: {  	_ =	shalt  }
0x5b: {  	_ =	shalt  }
0x5c: {  	_ =	shalt  }
0x5d: {  	_ =	shalt  }
0x5e: {  	_ =	shalt  }
0x5f: {  	_ =	shalt  }
0x60: {  	_ =	shalt  }
0x61: {  	_ =	shalt  }
0x62: {  	_ =	shalt  }
0x63: {  	_ =	shalt  }
0x64: {  	_ =	shalt  }
0x65: {  	_ =	shalt  }
0x66: {  	_ =	shalt  }
0x67: {  	_ =	shalt  }
0x68: {  	_ =	shalt  }
0x69: {  	_ =	shalt  }
0x6a: {  	_ =	shalt  }
0x6b: {  	_ =	shalt  }
0x6c: {  	_ =	shalt  }
0x6d: {  	_ =	shalt  }
0x6e: {  	_ =	shalt  }
0x6f: {  	_ =	shalt  }
0x70: {  	_ =	shalt  }
0x71: {  	_ =	shalt  }
0x72: {  	_ =	shalt  }
0x73: {  	_ =	shalt  }
0x74: {  	_ =	shalt  }
0x75: {  	_ =	shalt  }
0x76: {  	_ =	shalt  }
0x77: {  	_ =	shalt  }
0x78: {  	_ =	shalt  }
0x79: {  	_ =	shalt  }
0x7a: {  	_ =	shalt  }
0x7b: {  	_ =	shalt  }
0x7c: {  	_ =	shalt  }
0x7d: {  	_ =	shalt  }
0x7e: {  	_ =	shalt  }
0x7f: {  	_ =	shalt  }
0x80: {  	_ =	shalt  }
0x81: {  	_ =	shalt  }
0x82: {  	_ =	shalt  }
0x83: {  	_ =	shalt  }
0x84: {  	_ =	shalt  }
0x85: {  	_ =	shalt  }
0x86: {  	_ =	shalt  }
0x87: {  	_ =	shalt  }
.Lfunc_end0:
.L_simem_size_0:
called_computation.3_lowered:
.L_overlay_start_0:
0x88: {  	s2 =	sld [smem:$0x3FD9]  }
0x89: {  	s3 =	sld [smem:$0x3FFE];
	_ =	sdelay $0x1  }
0x8a: {  	s1 =	srdreg.scid  }
0x8b: {  	s0 =	sand.u32 $0x1, s1  }
0x8c: {  	s14 =	sshll.u32 s0, $0xA;
	s2 =	sadd.s32 s3, s2  }
0x8d: {  	s2 =	sadd.s32 s2, s14  }
0x8e: {  	[smem:$0x3FBE] =	sst s2  }
0x8f: {  	_ = 	snop  }
0x90: {  	s2 =	sld [smem:$0x3FD0];
	_ =	sdelay $0x2  }
0x91: {  	s15 =	simm.s32 $0xA;
	s4 =	simm.s32 $0x10  }
0x92: {  	[smem:s4], [sflag:s15] =	dma.local [hbm:s2], $0x1  }
0x93: {  	_ =	swait.eq [sflag:s15], $0x1  }
0x94: {  	[sflag:s15] =	ssyncset.done $0x0  }
0x95: {  	s16 =	sld [smem:$0x10];
	[sflag:s15] =	ssyncadd.s32 $0xFFFFFFFF  }
0x96: {  	s17 =	sld [smem:$0x11];
	(tm) =	ssettm $0x1  }
0x97: {  	s18 =	sld [smem:$0x3FFB];
	_ =	sdelay $0x3  }
0x98: {  	_ =	strace s18  }
0x99: {  	s4 =	sld [smem:$0x3FFC];
	_ =	sdelay $0x3  }
0x9a: {  	_ =	strace s4  }
0x9b: {  	s4 =	sld [smem:$0x3FFD];
	_ =	sdelay $0x3  }
0x9c: {  	_ =	strace s4  }
0x9d: {  	_ =	strace $0x8FFFFFFF  }
0x9e: {  	s19 =	sld [smem:$0x3FDB];
	_ =	sdelay $0x1  }
0x9f: {  	s5 =	simm.s32 $_scs_section_size  }
0xa0: {  	s6 =	simm.s32 $_size__tile_overlayer_lowered;
	s7 =	simm.s32 $_tile_overlayer_lowered  }
0xa1: {  	s22 =	simm.s32 $0x1BFF;
	s21 =	sshll.u32 s7, $0x1;
	s4 =	sadd.s32 s5, s19  }
0xa2: {  	s8 =	simm.s32 $0x0;
	s20 =	sshll.u32 s6, $0x1;
	s6 =	sadd.s32 s21, s4  }
0xa3: {  	[timem:s8], [sflag:s22] =	dma.local [hbm:s6], s20  }
0xa4: {  	_ =	swait.ge [sflag:s22], s20  }
0xa5: {  	s5 =	ssub.s32 $0x0, s20;
	[sflag:s22] =	ssyncset.done $0x0  }
0xa6: {  	[sflag:s22] =	ssyncadd.s32 s5;
	_ =	sdelay $0x1  }
0xa7: {  	s23 =	simm.s32 $0x1B8B  }
0xa8: {  	_ =	swait.ge [sflag:s23], $0x1  }
0xa9: {  	[sflag:s23] =	ssyncset.done $0x0  }
0xaa: {  	s25 =	simm.s32 $0x1B8E;
	s24 =	sld [smem:$0x3FFE];
	[sflag:s23] =	ssyncadd.s32 $0xFFFFFFFF  }
0xab: {  	s26 =	simm.s32 $execute0_lowered;
	[smem:$0x3FD2] =	sst s25  }
0xac: {  	s6 =	sshll.u32 s26, $0x1;
	_ =	strace $0x8000004F;
	[dreg:$0x1] =	wrdreg $0xFFFFFFFF  }
0xad: {  	s28 =	simm.s32 $_size_execute0_lowered;
	s4 =	sadd.s32 s4, s6;
	[dreg:$0x0] =	wrdreg $0x0  }
0xae: {  	s6 =	sshll.u32 s28, $0x1;
	[dreg:$0x2] =	wrdreg s4  }
0xaf: {  	[dreg:$0x3] =	wrdreg s6  }
0xb0: {  	[dreg:$0x4] =	wrdreg $0xC0  }
0xb1: {  	_ =	task [dreg:s8], $0x5FFFF  }
0xb2: {  	[dreg:$0x1] =	wrdreg $0xFFFFFFFF  }
0xb3: {  	[dreg:$0x0] =	wrdreg $0x60  }
0xb4: {  	[dreg:$0x2] =	wrdreg s24  }
0xb5: {  	[dreg:$0x3] =	wrdreg s16  }
0xb6: {  	[dreg:$0x4] =	wrdreg s17  }
0xb7: {  	[dreg:$0x5] =	wrdreg $0xB7800  }
0xb8: {  	[dreg:$0x6] =	wrdreg $0x9  }
0xb9: {  	_ =	task.clear_ibuf [dreg:s8], $0x7FFFF;
	_ =	strace $0x9000004F  }
0xba: {  	s29 =	simm.s32 $0x9;
	_ =	strace $0x80000051  }
0xbb: {  	_ =	swait.ge [sflag:s29], $0x1  }
0xbc: {  	[sflag:s29] =	ssyncadd.s32 $0xFFFFFFFF  }
0xbd: {  	_ =	strace $0x90000051  }
0xbe: {  	_ =	sfence  }
0xbf: {  	s30 =	sld [smem:$0x0];
	_ =	sdelay $0x2  }
0xc0: {  	s31 =	sshll.u32 s1, $0xD;
	s1 =	sshrl.u32 s1, $0x2  }
0xc1: {  	s3 =	sand.u32 $0x4000, s31;
	s1 =	sadd.s32 s1, s30  }
0xc2: {  	s0 =	sor.u32 s3, s0;
	s1 =	sshll.u32 s1, $0x11  }
0xc3: {  	s0 =	sor.u32 s1, s0  }
0xc4: {  	s0 =	sadd.s32 $0x8F2B, s0  }
0xc5: {  	[sflag:s0] =	ssyncadd.remote.s32 $0x1  }
0xc6: {  	_ =	sfence.sel $0xFFFF  }
0xc7: {  	[dreg:$0x0] =	wrdreg $0xFFFFFFFF;
	(pc) =	sbr.abs _section_cstart, $3  }
0xc8: {  	[dreg:$0x1] =	wrdreg $0xFFFFFFFF  }
0xc9: {  	_ =	task.clear_ibuf [dreg:s8], $0x2FFFF;
	_ =	strace $0x9FFFFFFF  }
0xca: {  	(tm) =	ssettm $0x7FFFFFFF  }
0xcb: {  	_ =	shalt  }
tec
execute0_lowered:
.L_overlay_start_1:
0x0: {  	(tag) =	ssettag $0x1  }
0x1: {  	s5 =	rddreg [dreg:$0x0]  }
0x2: {  	s7 =	rddreg [dreg:$0x1]  }
0x3: {  	s8 =	rddreg [dreg:$0x2]  }
0x4: {  	s2 =	rddreg [dreg:$0x3]  }
0x5: {  	s0 =	rddreg [dreg:$0x4]  }
0x6: {  	s1 =	stileid.u32;
	s4 =	srdreg.scid  }
0x7: {  	s3 =	simm.s32 $0x0;
	s15 =	simm.s32 $0x6780;
	s16 =	simm.s32 $0x8F80  }
0x8: {  	s17 =	simm.s32 $0x1;
	s18 =	simm.s32 $0x2;
	s19 =	simm.s32 $0x6580  }
0x9: {  	s20 =	simm.s32 $0x0;
	s6 =	smul.u32 $0x13C00, s1;
	s9 =	sand.u32 $0x1, s4  }
0xa: {  	[smem:$0x7FF] =	sst s3;
	s4 =	sadd.s32 $0x2A800, s5;
	s23 =	smul.u32 $0x4F000, s1  }
0xb: {  	s25 =	sshll.u32 s1, $0x1;
	s31 =	sshll.u32 s1, $0x6;
	s10 =	smul.u32 $0x13C000, s9  }
0xc: {  	_ =	strace $0x80000050;
	s24 =	ssub.s32 $0x2, s9;
	s11 =	sshrl.u32 s6, $0x3  }
0xd: {  	s13 =	sshrl.u32 s24, $0x1;
	s26 =	sshrl.u32 s23, $0x2;
	s6 =	sadd.s32 s6, s10  }
0xe: {  	s22 =	sadd.s32 s11, s5;
	s28 =	ssub.s32 s24, s13;
	s29 =	sadd.s32 s26, s2  }
0xf: {  	s13 =	simm.s32 $0x2780;
	s6 =	sshrl.u32 s6, $0x3;
	s10 =	smax.u32 s28, $0x1  }
0x10: {  	s11 =	sshrl.u32 s29, $0x3;
	s12 =	sadd.s32 s6, s5;
	s6 =	sor.u32 s9, s25  }
0x11: {  	s5 =	sadd.s32 $0x3000, s22;
	s30 =	smul.u32 $0x4E2, s6;
	s14 =	sshll.u32 s6, $0xB  }
0x12: {  	s6 =	sor.u32 $0x1C03, s31;
	s9 =	sadd.s32 $0x51A00, s12;
	s12 =	simm.s32 $0x3  }
0x13: {  	s8 =	sadd.s32 s8, s14;
	s14 =	simm.s32 $0x50;
	s7 =	sadd.s32 s7, s30  }
.LBB2_1:
0x14: {  	[spmem:s11], [sflag:s6] =	dma.local [hbm:s5], $0x2780  }
0x15: {  	_ =	swait.ge [sflag:s12], $0x2780  }
0x16: {  	[sflag:s12] =	ssyncset.done $0x0  }
0x17: {  	[sflag:s12] =	ssyncadd.s32 $0xFFFFD880  }
0x18: {  	[tilespmem:s3], [sflag:$0x3] =	stream.linear.gather [hbm4b:s7+s3], $0x2710, $0x38;
	[tilespmem:$0x1F380] =	vst v63  }
0x19: {  	_ =	swait.ge [sflag:s12], $0x2710  }
0x1a: {  	[sflag:s12] =	ssyncset.done $0x0  }
0x1b: {  	[sflag:s12] =	ssyncadd.s32 $0xFFFFD8F0  }
0x1c: {  	[tilespmem:s13], [sflag:$0x3] =	stream.linear.gather [hbm4b:s8+s3], $0x3E80, $0x38;
	[tilespmem:$0x1F380] =	vst v63  }
0x1d: {  	_ =	swait.ge [sflag:s12], $0x3E80  }
0x1e: {  	[sflag:s12] =	ssyncset.done $0x0  }
0x1f: {  	[sflag:s12] =	ssyncadd.s32 $0xFFFFC180  }
0x20: {  	[bflag:$0x0] =	sbarrier.arrive $0xFFFF  }
0x21: {  	[tilespmem:s15], [sflag:$0x1] =	stream.indirect.gather [hbm4b:s4+s14], $0x80, s3, s14, $0xb8;
	[tilespmem:$0x1F380] =	vst v63  }
0x22: {  	s21 =	simm.s32 $0x50  }
0x23: {  	[tilespmem:s16], [sflag:$0x2] =	stream.indirect.gather [hbm4b:s4+s14], $0x80, s21, s14, $0xb8;
	[tilespmem:$0x1F380] =	vst v63  }
0x24: {  	_ =	swait.ge [sflag:s17], $0x2800  }
0x25: {  	[sflag:s17] =	ssyncset.done $0x0  }
0x26: {  	s29 =	simm.s32 $0x2780;
	[sflag:s17] =	ssyncadd.s32 $0xFFFFD800  }
0x27: {  	[spmem:s2] =	stream.indirect.scatter.add.f32 [tilespmem:s15], [sflag:$0x3], $0x80, s29, s14, $0xb8;
	[tilespmem:$0x1F380] =	vst v63  }
0x28: {  	_ =	swait.ge [sflag:s12], $0x2800  }
0x29: {  	[sflag:s12] =	ssyncset.done $0x0  }
0x2a: {  	s30 =	simm.s32 $0xA0;
	[sflag:s12] =	ssyncadd.s32 $0xFFFFD800  }
0x2b: {  	[tilespmem:s15], [sflag:$0x1] =	stream.indirect.gather [hbm4b:s4+s14], $0x80, s30, s14, $0xb8;
	[tilespmem:$0x1F380] =	vst v63  }
0x2c: {  	_ =	swait.ge [sflag:s18], $0x2800  }
0x2d: {  	[sflag:s18] =	ssyncset.done $0x0  }
0x2e: {  	s31 =	simm.s32 $0x2800;
	[sflag:s18] =	ssyncadd.s32 $0xFFFFD800  }
0x2f: {  	[spmem:s2] =	stream.indirect.scatter.add.f32 [tilespmem:s16], [sflag:$0x3], $0x80, s31, s14, $0xb8;
	[tilespmem:$0x1F380] =	vst v63  }
0x30: {  	s22 =	simm.s32 $0x400;
	_ =	swait.ge [sflag:s12], $0x2800  }
0x31: {  	s23 =	simm.s32 $0x800;
	s21 =	simm.s32 $0x140;
	[sflag:s12] =	ssyncset.done $0x0  }
.LBB2_2:
0x32: {  	p0 =	sne.s32 s23, $0xF400;
	s24 =	sadd.s32 $0xFFFFFFB0, s21;
	[sflag:s12] =	ssyncadd.s32 $0xFFFFD800  }
0x33: {  	[tilespmem:s16], [sflag:$0x2] =	stream.indirect.gather [hbm4b:s4+s14], $0x80, s24, s14, $0xb8;
	[tilespmem:$0x1F380] =	vst v63  }
0x34: {  	s24 =	smov.u32 s23;
	s23 =	sadd.s32 $0x400, s23;
	_ =	swait.ge [sflag:s17], $0x2800  }
0x35: {  	s25 =	sshra.s32 s22, $0x2;
	s22 =	smov.u32 s24;
	[sflag:s17] =	ssyncset.done $0x0  }
0x36: {  	s24 =	sadd.s32 $0x2780, s25;
	[sflag:s17] =	ssyncadd.s32 $0xFFFFD800  }
0x37: {  	[spmem:s2] =	stream.indirect.scatter.add.f32 [tilespmem:s15], [sflag:$0x3], $0x80, s24, s14, $0xb8;
	[tilespmem:$0x1F380] =	vst v63  }
0x38: {  	_ =	swait.ge [sflag:s12], $0x2800  }
0x39: {  	[sflag:s12] =	ssyncset.done $0x0  }
0x3a: {  	[sflag:s12] =	ssyncadd.s32 $0xFFFFD800  }
0x3b: {  	[tilespmem:s15], [sflag:$0x1] =	stream.indirect.gather [hbm4b:s4+s14], $0x80, s21, s14, $0xb8;
	[tilespmem:$0x1F380] =	vst v63  }
0x3c: {  	_ =	swait.ge [sflag:s18], $0x2800  }
.Ltmp0:
0x3d: {  	[sflag:s18] =	ssyncset.done $0x0;
	(pc) =	sbr.rel @p0 .LBB2_2-.Ltmp0, $4  }
0x3e: {  	s24 =	sadd.s32 $0x2800, s25;
	[sflag:s18] =	ssyncadd.s32 $0xFFFFD800  }
0x3f: {  	[spmem:s2] =	stream.indirect.scatter.add.f32 [tilespmem:s16], [sflag:$0x3], $0x80, s24, s14, $0xb8;
	[tilespmem:$0x1F380] =	vst v63  }
0x40: {  	_ =	swait.ge [sflag:s12], $0x2800  }
0x41: {  	s21 =	sadd.s32 $0xA0, s21;
	[sflag:s12] =	ssyncset.done $0x0  }
0x42: {  	s23 =	sadd.s32 $0xFFFFFFB0, s21;
	[sflag:s12] =	ssyncadd.s32 $0xFFFFD800  }
0x43: {  	[tilespmem:s16], [sflag:$0x2] =	stream.indirect.gather [hbm4b:s4+s14], $0x80, s23, s14, $0xb8;
	[tilespmem:$0x1F380] =	vst v63  }
0x44: {  	_ =	swait.ge [sflag:s17], $0x2800  }
0x45: {  	s22 =	sshra.s32 s22, $0x2;
	[sflag:s17] =	ssyncset.done $0x0  }
0x46: {  	s30 =	sadd.s32 $0x2780, s22;
	[sflag:s17] =	ssyncadd.s32 $0xFFFFD800  }
0x47: {  	[spmem:s2] =	stream.indirect.scatter.add.f32 [tilespmem:s15], [sflag:$0x3], $0x80, s30, s14, $0xb8;
	[tilespmem:$0x1F380] =	vst v63  }
0x48: {  	_ =	swait.ge [sflag:s12], $0x2800  }
0x49: {  	[sflag:s12] =	ssyncset.done $0x0  }
0x4a: {  	[sflag:s12] =	ssyncadd.s32 $0xFFFFD800  }
0x4b: {  	[tilespmem:s15], [sflag:$0x1] =	stream.indirect.gather [hbm4b:s4+s14], $0x80, s21, s14, $0xb8;
	[tilespmem:$0x1F380] =	vst v63  }
0x4c: {  	_ =	swait.ge [sflag:s18], $0x2800  }
0x4d: {  	[sflag:s18] =	ssyncset.done $0x0  }
0x4e: {  	s31 =	sadd.s32 $0x2800, s22;
	[sflag:s18] =	ssyncadd.s32 $0xFFFFD800  }
0x4f: {  	[spmem:s2] =	stream.indirect.scatter.add.f32 [tilespmem:s16], [sflag:$0x3], $0x80, s31, s14, $0xb8;
	[tilespmem:$0x1F380] =	vst v63  }
0x50: {  	_ =	swait.ge [sflag:s12], $0x2800  }
0x51: {  	[sflag:s12] =	ssyncset.done $0x0  }
0x52: {  	[sflag:s12] =	ssyncadd.s32 $0xFFFFD800  }
0x53: {  	_ =	swait.ge [sflag:s17], $0x2800  }
0x54: {  	[sflag:s17] =	ssyncset.done $0x0  }
0x55: {  	[sflag:s17] =	ssyncadd.s32 $0xFFFFD800  }
0x56: {  	[spmem:s2] =	stream.indirect.scatter.add.f32 [tilespmem:s15], [sflag:$0x3], $0x80, s19, s14, $0xb8;
	[tilespmem:$0x1F380] =	vst v63  }
0x57: {  	_ =	swait.ge [sflag:s12], $0x2800  }
0x58: {  	s20 =	sadd.s32 $0x1, s20;
	[sflag:s12] =	ssyncset.done $0x0  }
0x59: {  	p0 =	sne.s32 s20, s10;
	[sflag:s12] =	ssyncadd.s32 $0xFFFFD800  }
.Ltmp1:
0x5a: {  	[bflag:$0x0] =	sbarrier.arrive $0xFFFF;
	(pc) =	sbr.rel @p0 .LBB2_1-.Ltmp1, $4  }
0x5b: {  	[hbm:s9], [sflag:s6] =	dma.local [spmem:s11], $0x2780  }
0x5c: {  	_ =	swait.ge [sflag:s12], $0x2780  }
0x5d: {  	[sflag:s12] =	ssyncset.done $0x0  }
0x5e: {  	[sflag:s12] =	ssyncadd.s32 $0xFFFFD880  }
0x5f: {  	_ =	sfence.sel $0x180000  }
0x60: {  	[bflag:$0x0] =	sbarrier.arrive $0xFFFF  }
0x61: {  	p0 =	sne.s32 s1, $0x0;
	_ =	strace $0x90000050  }
0x62: {  	s0 =	sadd.s32 @!p0 $0x100000, s0;
	[bflag:$0x2] =	sbarrier.arrive $0xFFFF  }
0x63: {  	[sflag:s0] =	ssyncadd.tile.s32 @!p0 $0x1;
	_ =	shalt  }
.Lfunc_end2:
_tile_overlayer_lowered:
.L_overlay_start_2:
0x64: {  	(tag) =	ssettag $0x2  }
0x65: {  	s0 =	rddreg [dreg:$0x0];
	s2 =	stileid.u32  }
0x66: {  	s1 =	rddreg [dreg:$0x1];
	p0 =	sne.s32 s2, $0x0  }
0x67: {  	s3 =	rddreg [dreg:$0x2];
	[bflag:$0x3] =	sbarrier.arrive $0xFFFF;
	s2 =	simm.s32 @!p0 $0x1C03  }
0x68: {  	[timem:s3], [sflag:s2] =	dma.local @!p0 [hbm:s0], s1  }
0x69: {  	s0 =	simm.s32 @!p0 $0x3  }
0x6a: {  	_ =	swait.ge @!p0 [sflag:s0], s1  }
0x6b: {  	s1 =	ssub.s32 @!p0 $0x0, s1;
	[sflag:s0] =	ssyncset.done @!p0 $0x0  }
0x6c: {  	[sflag:s0] =	ssyncadd.s32 @!p0 s1  }
0x6d: {  	[bflag:$0x3] =	sbarrier.arrive $0xFFFF  }
0x6e: {  	_ =	shalt  }

</sc_bundles>
